<compile_context>
chip_gen: v7x
topology: tpu7x:2x2x1
jax: 0.10.2.dev20260603
libtpu: 0.0.44.dev20260713+nightly
codegen_flags: <defaults>
</compile_context>

<pallas_src>
import jax
import jax.numpy as jnp
from jax import lax
from jax.experimental import pallas as pl
from jax.experimental.pallas import tpu as pltpu
from jax.experimental.pallas import tpu_sc as plsc

VOCAB = 1000000
D_MODEL = 64

_info = plsc.get_sparse_core_info()
_NC, _NS = _info.num_cores, _info.num_subcores
_NW = _NC * _NS

_S = 4096
_T = 200
_SPW = _S // _NW
_NBUF = 4
_ROUNDS = _SPW // _NBUF


def _embed_kernel(x_hbm, table_hbm, out_hbm, idx_v, rows_v, gsem, wsem):
    wid = lax.axis_index("s") * _NC + lax.axis_index("c")
    s_base = wid * _SPW

    pltpu.sync_copy(x_hbm.at[pl.ds(s_base, _SPW)], idx_v)

    def gather_start(c, b):
        pltpu.async_copy(table_hbm.at[idx_v.at[c]], rows_v.at[b, 0],
                         gsem.at[b])

    def gather_wait(c, b):
        pltpu.make_async_copy(table_hbm.at[idx_v.at[c]], rows_v.at[b, 0],
                              gsem.at[b]).wait()

    def wb_start(c, b):
        pltpu.async_copy(rows_v.at[b], out_hbm.at[pl.ds(s_base + c, 1)],
                         wsem.at[b])

    def wb_wait(c, b):
        pltpu.make_async_copy(rows_v.at[b], out_hbm.at[pl.ds(s_base + c, 1)],
                              wsem.at[b]).wait()

    for b in range(_NBUF):
        gather_start(b, b)

    def round_body(r, carry):
        for b in range(_NBUF):
            c = r * _NBUF + b
            gather_wait(c, b)
            wb_start(c, b)
            wb_wait(c, b)
            gather_start(c + _NBUF, b)
        return carry

    lax.fori_loop(0, _ROUNDS - 1, round_body, 0)

    for b in range(_NBUF):
        c = (_ROUNDS - 1) * _NBUF + b
        gather_wait(c, b)
        wb_start(c, b)
        wb_wait(c, b)


@jax.jit
def kernel(x, table):
    mesh = plsc.VectorSubcoreMesh(core_axis_name="c", subcore_axis_name="s")
    out = pl.kernel(
        _embed_kernel,
        mesh=mesh,
        out_type=jax.ShapeDtypeStruct((_S, _T, D_MODEL), jnp.float32),
        scratch_types=[
            pltpu.VMEM((_SPW, _T), jnp.int32),
            pltpu.VMEM((_NBUF, 1, _T, D_MODEL), jnp.float32),
            pltpu.SemaphoreType.DMA((_NBUF,)),
            pltpu.SemaphoreType.DMA((_NBUF,)),
        ],
        compiler_params=pltpu.CompilerParams(use_tc_tiling_on_sc=False),
    )(x.astype(jnp.int32), table)
    return out

# --- scband reference (transcript-rebuilt; emitter-appended) ---
"""Pipeline reference for scband-embedder-79353815761395 (READ-ONLY COPY).

The authoritative reference and input builder live on the scoring server;
editing this copy changes nothing except your own understanding.
"""

import jax, jax.numpy as jnp
import numpy as np

VOCAB = 1000000
D_MODEL = 64

def setup_inputs(seed: int = 0) -> dict:
    key = jax.random.key(seed)
    k1, k2 = jax.random.split(key)
    x = jax.random.randint(k1, (4096, 200), 0, VOCAB, dtype=jnp.int64 if jax.config.jax_enable_x64 else jnp.int32)
    table = jax.random.normal(k2, (VOCAB, D_MODEL), dtype=jnp.float32)
    return {"x": x, "table": table}

def reference(x, table):
    # nn.Embedding forward: row gather from the embedding table
    return jnp.take(table, x, axis=0)

if __name__ == "__main__":
    import jax
    _d = setup_inputs()
    print(jax.jit(kernel)(*tuple(_d.values())))

</pallas_src>

<mosaic_0001>
#map = affine_map<(d0, d1) -> (0, 0)>
#map1 = affine_map<(d0, d1) -> (0, 0, 0)>
module attributes {stable_mosaic.version = 14 : i64} {
  func.func @_embed_kernel(%arg0: i32, %arg1: i32, %arg2: memref<4096x200xi32, #tpu.memory_space<hbm>>, %arg3: memref<1000000x64xf32, #tpu.memory_space<hbm>>, %arg4: memref<4096x200x64xf32, #tpu.memory_space<hbm>>, %arg5: memref<128x200xi32, #tpu.memory_space<vmem>>, %arg6: memref<4x1x200x64xf32, #tpu.memory_space<vmem>>, %arg7: memref<4x!tpu.dma_semaphore, #tpu.memory_space<semaphore_mem>>, %arg8: memref<4x!tpu.dma_semaphore, #tpu.memory_space<semaphore_mem>>) attributes {dimension_semantics = [#tpu.dimension_semantics<core_parallel>, #tpu.dimension_semantics<subcore_parallel>], iteration_bounds = array<i64: 2, 16>, scalar_prefetch = 0 : i64, scratch_operands = 4 : i64, tpu.core_type = #tpu.core_type<sc_vector_subcore>, window_params = [{transform_indices = #map}, {transform_indices = #map}, {transform_indices = #map1}]} {
    %mul3A = arith.constant 2 : i32
    %mul3A_0 = arith.muli %arg1, %mul3A : i32
    %add3A = arith.addi %mul3A_0, %arg0 : i32
    %mul3A_1 = arith.constant 128 : i32
    %mul3A_2 = arith.muli %add3A, %mul3A_1 : i32
    "tpu.region"() ({
      %run_scoped3A = tpu.sem_alloc : memref<!tpu.dma_semaphore, #tpu.memory_space<semaphore_mem>>
      %dma_start3A_310 = arith.constant 0 : i32
      %dma_start3A_311 = tpu.memref_slice %arg2[%mul3A_2, %dma_start3A_310] : memref<4096x200xi32, #tpu.memory_space<hbm>> -> memref<128x200xi32, #tpu.memory_space<hbm>>
      %dma_start3A_312 = arith.constant 0 : i32
      %dma_start3A_313 = tpu.memref_slice %arg2[%mul3A_2, %dma_start3A_312] : memref<4096x200xi32, #tpu.memory_space<hbm>> -> memref<128x200xi32, #tpu.memory_space<hbm>>
      tpu.enqueue_dma source(%dma_start3A_313 : memref<128x200xi32, #tpu.memory_space<hbm>>) target(%arg5 : memref<128x200xi32, #tpu.memory_space<vmem>>) target_semaphore(%run_scoped3A : memref<!tpu.dma_semaphore, #tpu.memory_space<semaphore_mem>>)
      %dma_wait3A_314 = arith.constant 0 : i32
      %dma_wait3A_315 = tpu.memref_slice %arg2[%mul3A_2, %dma_wait3A_314] : memref<4096x200xi32, #tpu.memory_space<hbm>> -> memref<128x200xi32, #tpu.memory_space<hbm>>
      %dma_wait3A_316 = arith.constant 0 : i32
      %dma_wait3A_317 = tpu.memref_slice %arg2[%mul3A_2, %dma_wait3A_316] : memref<4096x200xi32, #tpu.memory_space<hbm>> -> memref<128x200xi32, #tpu.memory_space<hbm>>
      tpu.wait_dma2 semaphore(%run_scoped3A : memref<!tpu.dma_semaphore, #tpu.memory_space<semaphore_mem>>) src(%dma_wait3A_317 : memref<128x200xi32, #tpu.memory_space<hbm>>) dst(%arg5 : memref<128x200xi32, #tpu.memory_space<vmem>>)
      tpu.yield
    }) : () -> ()
    %dma_start3A = arith.constant 0 : i32
    %dma_start3A_3 = arith.constant 0 : i32
    %dma_start3A_4 = arith.constant 0 : i32
    %dma_start3A_5 = arith.constant 0 : i32
    %dma_start3A_6 = arith.constant 0 : i32
    %dma_start3A_7 = arith.constant 0 : i32
    %dma_start3A_8 = tpu.memref_slice %arg6[%dma_start3A_3, %dma_start3A_4, %dma_start3A_6, %dma_start3A_7] : memref<4x1x200x64xf32, #tpu.memory_space<vmem>> -> memref<1x1x200x64xf32, #tpu.memory_space<vmem>>
    %dma_start3A_9 = tpu.memref_squeeze %dma_start3A_8 : memref<1x1x200x64xf32, #tpu.memory_space<vmem>> -> memref<200x64xf32, #tpu.memory_space<vmem>>
    %dma_start3A_10 = arith.constant 0 : i32
    %dma_start3A_11 = tpu.memref_slice %arg5[%dma_start3A, %dma_start3A_10] : memref<128x200xi32, #tpu.memory_space<vmem>> -> memref<1x200xi32, #tpu.memory_space<vmem>>
    %dma_start3A_12 = tpu.memref_squeeze %dma_start3A_11 : memref<1x200xi32, #tpu.memory_space<vmem>> -> memref<200xi32, #tpu.memory_space<vmem>>
    %dma_start3A_13 = arith.constant 0 : i32
    %dma_start3A_14 = arith.constant 0 : i32
    %dma_start3A_15 = tpu.memref_slice %arg3[%dma_start3A_13, %dma_start3A_14] : memref<1000000x64xf32, #tpu.memory_space<hbm>> -> memref<1000000x64xf32, #tpu.memory_space<hbm>>
    %dma_start3A_16 = tpu.memref_slice %arg7[%dma_start3A_5] : memref<4x!tpu.dma_semaphore, #tpu.memory_space<semaphore_mem>> -> memref<1x!tpu.dma_semaphore, #tpu.memory_space<semaphore_mem>>
    %dma_start3A_17 = tpu.memref_squeeze %dma_start3A_16 : memref<1x!tpu.dma_semaphore, #tpu.memory_space<semaphore_mem>> -> memref<!tpu.dma_semaphore, #tpu.memory_space<semaphore_mem>>
    tpu.enqueue_indirect_dma source(%dma_start3A_15 : memref<1000000x64xf32, #tpu.memory_space<hbm>>) target(%dma_start3A_9 : memref<200x64xf32, #tpu.memory_space<vmem>>) offsets(%dma_start3A_12 : memref<200xi32, #tpu.memory_space<vmem>>) semaphore(%dma_start3A_17 : memref<!tpu.dma_semaphore, #tpu.memory_space<semaphore_mem>>)
    %dma_start3A_18 = arith.constant 1 : i32
    %dma_start3A_19 = arith.constant 1 : i32
    %dma_start3A_20 = arith.constant 0 : i32
    %dma_start3A_21 = arith.constant 1 : i32
    %dma_start3A_22 = arith.constant 0 : i32
    %dma_start3A_23 = arith.constant 0 : i32
    %dma_start3A_24 = tpu.memref_slice %arg6[%dma_start3A_19, %dma_start3A_20, %dma_start3A_22, %dma_start3A_23] : memref<4x1x200x64xf32, #tpu.memory_space<vmem>> -> memref<1x1x200x64xf32, #tpu.memory_space<vmem>>
    %dma_start3A_25 = tpu.memref_squeeze %dma_start3A_24 : memref<1x1x200x64xf32, #tpu.memory_space<vmem>> -> memref<200x64xf32, #tpu.memory_space<vmem>>
    %dma_start3A_26 = arith.constant 0 : i32
    %dma_start3A_27 = tpu.memref_slice %arg5[%dma_start3A_18, %dma_start3A_26] : memref<128x200xi32, #tpu.memory_space<vmem>> -> memref<1x200xi32, #tpu.memory_space<vmem>>
    %dma_start3A_28 = tpu.memref_squeeze %dma_start3A_27 : memref<1x200xi32, #tpu.memory_space<vmem>> -> memref<200xi32, #tpu.memory_space<vmem>>
    %dma_start3A_29 = arith.constant 0 : i32
    %dma_start3A_30 = arith.constant 0 : i32
    %dma_start3A_31 = tpu.memref_slice %arg3[%dma_start3A_29, %dma_start3A_30] : memref<1000000x64xf32, #tpu.memory_space<hbm>> -> memref<1000000x64xf32, #tpu.memory_space<hbm>>
    %dma_start3A_32 = tpu.memref_slice %arg7[%dma_start3A_21] : memref<4x!tpu.dma_semaphore, #tpu.memory_space<semaphore_mem>> -> memref<1x!tpu.dma_semaphore, #tpu.memory_space<semaphore_mem>>
    %dma_start3A_33 = tpu.memref_squeeze %dma_start3A_32 : memref<1x!tpu.dma_semaphore, #tpu.memory_space<semaphore_mem>> -> memref<!tpu.dma_semaphore, #tpu.memory_space<semaphore_mem>>
    tpu.enqueue_indirect_dma source(%dma_start3A_31 : memref<1000000x64xf32, #tpu.memory_space<hbm>>) target(%dma_start3A_25 : memref<200x64xf32, #tpu.memory_space<vmem>>) offsets(%dma_start3A_28 : memref<200xi32, #tpu.memory_space<vmem>>) semaphore(%dma_start3A_33 : memref<!tpu.dma_semaphore, #tpu.memory_space<semaphore_mem>>)
    %dma_start3A_34 = arith.constant 2 : i32
    %dma_start3A_35 = arith.constant 2 : i32
    %dma_start3A_36 = arith.constant 0 : i32
    %dma_start3A_37 = arith.constant 2 : i32
    %dma_start3A_38 = arith.constant 0 : i32
    %dma_start3A_39 = arith.constant 0 : i32
    %dma_start3A_40 = tpu.memref_slice %arg6[%dma_start3A_35, %dma_start3A_36, %dma_start3A_38, %dma_start3A_39] : memref<4x1x200x64xf32, #tpu.memory_space<vmem>> -> memref<1x1x200x64xf32, #tpu.memory_space<vmem>>
    %dma_start3A_41 = tpu.memref_squeeze %dma_start3A_40 : memref<1x1x200x64xf32, #tpu.memory_space<vmem>> -> memref<200x64xf32, #tpu.memory_space<vmem>>
    %dma_start3A_42 = arith.constant 0 : i32
    %dma_start3A_43 = tpu.memref_slice %arg5[%dma_start3A_34, %dma_start3A_42] : memref<128x200xi32, #tpu.memory_space<vmem>> -> memref<1x200xi32, #tpu.memory_space<vmem>>
    %dma_start3A_44 = tpu.memref_squeeze %dma_start3A_43 : memref<1x200xi32, #tpu.memory_space<vmem>> -> memref<200xi32, #tpu.memory_space<vmem>>
    %dma_start3A_45 = arith.constant 0 : i32
    %dma_start3A_46 = arith.constant 0 : i32
    %dma_start3A_47 = tpu.memref_slice %arg3[%dma_start3A_45, %dma_start3A_46] : memref<1000000x64xf32, #tpu.memory_space<hbm>> -> memref<1000000x64xf32, #tpu.memory_space<hbm>>
    %dma_start3A_48 = tpu.memref_slice %arg7[%dma_start3A_37] : memref<4x!tpu.dma_semaphore, #tpu.memory_space<semaphore_mem>> -> memref<1x!tpu.dma_semaphore, #tpu.memory_space<semaphore_mem>>
    %dma_start3A_49 = tpu.memref_squeeze %dma_start3A_48 : memref<1x!tpu.dma_semaphore, #tpu.memory_space<semaphore_mem>> -> memref<!tpu.dma_semaphore, #tpu.memory_space<semaphore_mem>>
    tpu.enqueue_indirect_dma source(%dma_start3A_47 : memref<1000000x64xf32, #tpu.memory_space<hbm>>) target(%dma_start3A_41 : memref<200x64xf32, #tpu.memory_space<vmem>>) offsets(%dma_start3A_44 : memref<200xi32, #tpu.memory_space<vmem>>) semaphore(%dma_start3A_49 : memref<!tpu.dma_semaphore, #tpu.memory_space<semaphore_mem>>)
    %dma_start3A_50 = arith.constant 3 : i32
    %dma_start3A_51 = arith.constant 3 : i32
    %dma_start3A_52 = arith.constant 0 : i32
    %dma_start3A_53 = arith.constant 3 : i32
    %dma_start3A_54 = arith.constant 0 : i32
    %dma_start3A_55 = arith.constant 0 : i32
    %dma_start3A_56 = tpu.memref_slice %arg6[%dma_start3A_51, %dma_start3A_52, %dma_start3A_54, %dma_start3A_55] : memref<4x1x200x64xf32, #tpu.memory_space<vmem>> -> memref<1x1x200x64xf32, #tpu.memory_space<vmem>>
    %dma_start3A_57 = tpu.memref_squeeze %dma_start3A_56 : memref<1x1x200x64xf32, #tpu.memory_space<vmem>> -> memref<200x64xf32, #tpu.memory_space<vmem>>
    %dma_start3A_58 = arith.constant 0 : i32
    %dma_start3A_59 = tpu.memref_slice %arg5[%dma_start3A_50, %dma_start3A_58] : memref<128x200xi32, #tpu.memory_space<vmem>> -> memref<1x200xi32, #tpu.memory_space<vmem>>
    %dma_start3A_60 = tpu.memref_squeeze %dma_start3A_59 : memref<1x200xi32, #tpu.memory_space<vmem>> -> memref<200xi32, #tpu.memory_space<vmem>>
    %dma_start3A_61 = arith.constant 0 : i32
    %dma_start3A_62 = arith.constant 0 : i32
    %dma_start3A_63 = tpu.memref_slice %arg3[%dma_start3A_61, %dma_start3A_62] : memref<1000000x64xf32, #tpu.memory_space<hbm>> -> memref<1000000x64xf32, #tpu.memory_space<hbm>>
    %dma_start3A_64 = tpu.memref_slice %arg7[%dma_start3A_53] : memref<4x!tpu.dma_semaphore, #tpu.memory_space<semaphore_mem>> -> memref<1x!tpu.dma_semaphore, #tpu.memory_space<semaphore_mem>>
    %dma_start3A_65 = tpu.memref_squeeze %dma_start3A_64 : memref<1x!tpu.dma_semaphore, #tpu.memory_space<semaphore_mem>> -> memref<!tpu.dma_semaphore, #tpu.memory_space<semaphore_mem>>
    tpu.enqueue_indirect_dma source(%dma_start3A_63 : memref<1000000x64xf32, #tpu.memory_space<hbm>>) target(%dma_start3A_57 : memref<200x64xf32, #tpu.memory_space<vmem>>) offsets(%dma_start3A_60 : memref<200xi32, #tpu.memory_space<vmem>>) semaphore(%dma_start3A_65 : memref<!tpu.dma_semaphore, #tpu.memory_space<semaphore_mem>>)
    %scan3A = arith.constant 0 : i32
    %scan3A_66 = arith.constant 0 : i32
    %scan3A_67 = arith.constant 31 : i32
    %scan3A_68 = arith.addi %scan3A_66, %scan3A_67 : i32
    %scan3A_69 = arith.constant 1 : i32
    scf.for %scan3A_310 = %scan3A_66 to %scan3A_68 step %scan3A_69  : i32 {
      %mul3A_311 = arith.constant 4 : i32
      %mul3A_312 = arith.muli %scan3A_310, %mul3A_311 : i32
      %add3A_313 = arith.constant 0 : i32
      %add3A_314 = arith.addi %mul3A_312, %add3A_313 : i32
      %dma_wait3A_315 = arith.constant 0 : i32
      %dma_wait3A_316 = arith.constant 0 : i32
      %dma_wait3A_317 = arith.constant 0 : i32
      %dma_wait3A_318 = arith.constant 0 : i32
      %dma_wait3A_319 = arith.constant 0 : i32
      %dma_wait3A_320 = tpu.memref_slice %arg6[%dma_wait3A_315, %dma_wait3A_316, %dma_wait3A_318, %dma_wait3A_319] : memref<4x1x200x64xf32, #tpu.memory_space<vmem>> -> memref<1x1x200x64xf32, #tpu.memory_space<vmem>>
      %dma_wait3A_321 = tpu.memref_squeeze %dma_wait3A_320 : memref<1x1x200x64xf32, #tpu.memory_space<vmem>> -> memref<200x64xf32, #tpu.memory_space<vmem>>
      %dma_wait3A_322 = arith.constant 0 : i32
      %dma_wait3A_323 = tpu.memref_slice %arg5[%add3A_314, %dma_wait3A_322] : memref<128x200xi32, #tpu.memory_space<vmem>> -> memref<1x200xi32, #tpu.memory_space<vmem>>
      %dma_wait3A_324 = tpu.memref_squeeze %dma_wait3A_323 : memref<1x200xi32, #tpu.memory_space<vmem>> -> memref<200xi32, #tpu.memory_space<vmem>>
      %dma_wait3A_325 = arith.constant 0 : i32
      %dma_wait3A_326 = arith.constant 0 : i32
      %dma_wait3A_327 = tpu.memref_slice %arg3[%dma_wait3A_325, %dma_wait3A_326] : memref<1000000x64xf32, #tpu.memory_space<hbm>> -> memref<1000000x64xf32, #tpu.memory_space<hbm>>
      %dma_wait3A_328 = tpu.memref_slice %arg7[%dma_wait3A_317] : memref<4x!tpu.dma_semaphore, #tpu.memory_space<semaphore_mem>> -> memref<1x!tpu.dma_semaphore, #tpu.memory_space<semaphore_mem>>
      %dma_wait3A_329 = tpu.memref_squeeze %dma_wait3A_328 : memref<1x!tpu.dma_semaphore, #tpu.memory_space<semaphore_mem>> -> memref<!tpu.dma_semaphore, #tpu.memory_space<semaphore_mem>>
      tpu.wait_indirect_dma semaphore(%dma_wait3A_329 : memref<!tpu.dma_semaphore, #tpu.memory_space<semaphore_mem>>) src(%dma_wait3A_327 : memref<1000000x64xf32, #tpu.memory_space<hbm>>) dst(%dma_wait3A_321 : memref<200x64xf32, #tpu.memory_space<vmem>>)
      %add3A_330 = arith.addi %mul3A_2, %add3A_314 : i32
      %dma_start3A_331 = arith.constant 0 : i32
      %dma_start3A_332 = arith.constant 0 : i32
      %dma_start3A_333 = arith.constant 0 : i32
      %dma_start3A_334 = arith.constant 0 : i32
      %dma_start3A_335 = arith.constant 0 : i32
      %dma_start3A_336 = tpu.memref_slice %arg6[%dma_start3A_331, %dma_start3A_333, %dma_start3A_334, %dma_start3A_335] : memref<4x1x200x64xf32, #tpu.memory_space<vmem>> -> memref<1x1x200x64xf32, #tpu.memory_space<vmem>>
      %dma_start3A_337 = tpu.memref_squeeze %dma_start3A_336 : memref<1x1x200x64xf32, #tpu.memory_space<vmem>> -> memref<1x200x64xf32, #tpu.memory_space<vmem>>
      %dma_start3A_338 = arith.constant 0 : i32
      %dma_start3A_339 = arith.constant 0 : i32
      %dma_start3A_340 = tpu.memref_slice %arg4[%add3A_330, %dma_start3A_338, %dma_start3A_339] : memref<4096x200x64xf32, #tpu.memory_space<hbm>> -> memref<1x200x64xf32, #tpu.memory_space<hbm>>
      %dma_start3A_341 = tpu.memref_slice %arg8[%dma_start3A_332] : memref<4x!tpu.dma_semaphore, #tpu.memory_space<semaphore_mem>> -> memref<1x!tpu.dma_semaphore, #tpu.memory_space<semaphore_mem>>
      %dma_start3A_342 = tpu.memref_squeeze %dma_start3A_341 : memref<1x!tpu.dma_semaphore, #tpu.memory_space<semaphore_mem>> -> memref<!tpu.dma_semaphore, #tpu.memory_space<semaphore_mem>>
      %dma_start3A_343 = arith.constant 0 : i32
      %dma_start3A_344 = arith.constant 0 : i32
      %dma_start3A_345 = tpu.memref_slice %arg4[%add3A_330, %dma_start3A_343, %dma_start3A_344] : memref<4096x200x64xf32, #tpu.memory_space<hbm>> -> memref<1x200x64xf32, #tpu.memory_space<hbm>>
      %dma_start3A_346 = arith.constant 0 : i32
      %dma_start3A_347 = arith.constant 0 : i32
      %dma_start3A_348 = arith.constant 0 : i32
      %dma_start3A_349 = tpu.memref_slice %arg6[%dma_start3A_331, %dma_start3A_346, %dma_start3A_347, %dma_start3A_348] : memref<4x1x200x64xf32, #tpu.memory_space<vmem>> -> memref<1x1x200x64xf32, #tpu.memory_space<vmem>>
      %dma_start3A_350 = tpu.memref_squeeze %dma_start3A_349 : memref<1x1x200x64xf32, #tpu.memory_space<vmem>> -> memref<1x200x64xf32, #tpu.memory_space<vmem>>
      tpu.enqueue_dma source(%dma_start3A_350 : memref<1x200x64xf32, #tpu.memory_space<vmem>>) target(%dma_start3A_345 : memref<1x200x64xf32, #tpu.memory_space<hbm>>) target_semaphore(%dma_start3A_342 : memref<!tpu.dma_semaphore, #tpu.memory_space<semaphore_mem>>)
      %add3A_351 = arith.addi %mul3A_2, %add3A_314 : i32
      %dma_wait3A_352 = arith.constant 0 : i32
      %dma_wait3A_353 = arith.constant 0 : i32
      %dma_wait3A_354 = arith.constant 0 : i32
      %dma_wait3A_355 = arith.constant 0 : i32
      %dma_wait3A_356 = arith.constant 0 : i32
      %dma_wait3A_357 = tpu.memref_slice %arg6[%dma_wait3A_352, %dma_wait3A_354, %dma_wait3A_355, %dma_wait3A_356] : memref<4x1x200x64xf32, #tpu.memory_space<vmem>> -> memref<1x1x200x64xf32, #tpu.memory_space<vmem>>
      %dma_wait3A_358 = tpu.memref_squeeze %dma_wait3A_357 : memref<1x1x200x64xf32, #tpu.memory_space<vmem>> -> memref<1x200x64xf32, #tpu.memory_space<vmem>>
      %dma_wait3A_359 = arith.constant 0 : i32
      %dma_wait3A_360 = arith.constant 0 : i32
      %dma_wait3A_361 = tpu.memref_slice %arg4[%add3A_351, %dma_wait3A_359, %dma_wait3A_360] : memref<4096x200x64xf32, #tpu.memory_space<hbm>> -> memref<1x200x64xf32, #tpu.memory_space<hbm>>
      %dma_wait3A_362 = tpu.memref_slice %arg8[%dma_wait3A_353] : memref<4x!tpu.dma_semaphore, #tpu.memory_space<semaphore_mem>> -> memref<1x!tpu.dma_semaphore, #tpu.memory_space<semaphore_mem>>
      %dma_wait3A_363 = tpu.memref_squeeze %dma_wait3A_362 : memref<1x!tpu.dma_semaphore, #tpu.memory_space<semaphore_mem>> -> memref<!tpu.dma_semaphore, #tpu.memory_space<semaphore_mem>>
      %dma_wait3A_364 = arith.constant 0 : i32
      %dma_wait3A_365 = arith.constant 0 : i32
      %dma_wait3A_366 = tpu.memref_slice %arg4[%add3A_351, %dma_wait3A_364, %dma_wait3A_365] : memref<4096x200x64xf32, #tpu.memory_space<hbm>> -> memref<1x200x64xf32, #tpu.memory_space<hbm>>
      %dma_wait3A_367 = arith.constant 0 : i32
      %dma_wait3A_368 = arith.constant 0 : i32
      %dma_wait3A_369 = arith.constant 0 : i32
      %dma_wait3A_370 = tpu.memref_slice %arg6[%dma_wait3A_352, %dma_wait3A_367, %dma_wait3A_368, %dma_wait3A_369] : memref<4x1x200x64xf32, #tpu.memory_space<vmem>> -> memref<1x1x200x64xf32, #tpu.memory_space<vmem>>
      %dma_wait3A_371 = tpu.memref_squeeze %dma_wait3A_370 : memref<1x1x200x64xf32, #tpu.memory_space<vmem>> -> memref<1x200x64xf32, #tpu.memory_space<vmem>>
      tpu.wait_dma2 semaphore(%dma_wait3A_363 : memref<!tpu.dma_semaphore, #tpu.memory_space<semaphore_mem>>) src(%dma_wait3A_371 : memref<1x200x64xf32, #tpu.memory_space<vmem>>) dst(%dma_wait3A_366 : memref<1x200x64xf32, #tpu.memory_space<hbm>>)
      %add3A_372 = arith.constant 4 : i32
      %add3A_373 = arith.addi %add3A_314, %add3A_372 : i32
      %dma_start3A_374 = arith.constant 0 : i32
      %dma_start3A_375 = arith.constant 0 : i32
      %dma_start3A_376 = arith.constant 0 : i32
      %dma_start3A_377 = arith.constant 0 : i32
      %dma_start3A_378 = arith.constant 0 : i32
      %dma_start3A_379 = tpu.memref_slice %arg6[%dma_start3A_374, %dma_start3A_375, %dma_start3A_377, %dma_start3A_378] : memref<4x1x200x64xf32, #tpu.memory_space<vmem>> -> memref<1x1x200x64xf32, #tpu.memory_space<vmem>>
      %dma_start3A_380 = tpu.memref_squeeze %dma_start3A_379 : memref<1x1x200x64xf32, #tpu.memory_space<vmem>> -> memref<200x64xf32, #tpu.memory_space<vmem>>
      %dma_start3A_381 = arith.constant 0 : i32
      %dma_start3A_382 = tpu.memref_slice %arg5[%add3A_373, %dma_start3A_381] : memref<128x200xi32, #tpu.memory_space<vmem>> -> memref<1x200xi32, #tpu.memory_space<vmem>>
      %dma_start3A_383 = tpu.memref_squeeze %dma_start3A_382 : memref<1x200xi32, #tpu.memory_space<vmem>> -> memref<200xi32, #tpu.memory_space<vmem>>
      %dma_start3A_384 = arith.constant 0 : i32
      %dma_start3A_385 = arith.constant 0 : i32
      %dma_start3A_386 = tpu.memref_slice %arg3[%dma_start3A_384, %dma_start3A_385] : memref<1000000x64xf32, #tpu.memory_space<hbm>> -> memref<1000000x64xf32, #tpu.memory_space<hbm>>
      %dma_start3A_387 = tpu.memref_slice %arg7[%dma_start3A_376] : memref<4x!tpu.dma_semaphore, #tpu.memory_space<semaphore_mem>> -> memref<1x!tpu.dma_semaphore, #tpu.memory_space<semaphore_mem>>
      %dma_start3A_388 = tpu.memref_squeeze %dma_start3A_387 : memref<1x!tpu.dma_semaphore, #tpu.memory_space<semaphore_mem>> -> memref<!tpu.dma_semaphore, #tpu.memory_space<semaphore_mem>>
      tpu.enqueue_indirect_dma source(%dma_start3A_386 : memref<1000000x64xf32, #tpu.memory_space<hbm>>) target(%dma_start3A_380 : memref<200x64xf32, #tpu.memory_space<vmem>>) offsets(%dma_start3A_383 : memref<200xi32, #tpu.memory_space<vmem>>) semaphore(%dma_start3A_388 : memref<!tpu.dma_semaphore, #tpu.memory_space<semaphore_mem>>)
      %mul3A_389 = arith.constant 4 : i32
      %mul3A_390 = arith.muli %scan3A_310, %mul3A_389 : i32
      %add3A_391 = arith.constant 1 : i32
      %add3A_392 = arith.addi %mul3A_390, %add3A_391 : i32
      %dma_wait3A_393 = arith.constant 1 : i32
      %dma_wait3A_394 = arith.constant 0 : i32
      %dma_wait3A_395 = arith.constant 1 : i32
      %dma_wait3A_396 = arith.constant 0 : i32
      %dma_wait3A_397 = arith.constant 0 : i32
      %dma_wait3A_398 = tpu.memref_slice %arg6[%dma_wait3A_393, %dma_wait3A_394, %dma_wait3A_396, %dma_wait3A_397] : memref<4x1x200x64xf32, #tpu.memory_space<vmem>> -> memref<1x1x200x64xf32, #tpu.memory_space<vmem>>
      %dma_wait3A_399 = tpu.memref_squeeze %dma_wait3A_398 : memref<1x1x200x64xf32, #tpu.memory_space<vmem>> -> memref<200x64xf32, #tpu.memory_space<vmem>>
      %dma_wait3A_400 = arith.constant 0 : i32
      %dma_wait3A_401 = tpu.memref_slice %arg5[%add3A_392, %dma_wait3A_400] : memref<128x200xi32, #tpu.memory_space<vmem>> -> memref<1x200xi32, #tpu.memory_space<vmem>>
      %dma_wait3A_402 = tpu.memref_squeeze %dma_wait3A_401 : memref<1x200xi32, #tpu.memory_space<vmem>> -> memref<200xi32, #tpu.memory_space<vmem>>
      %dma_wait3A_403 = arith.constant 0 : i32
      %dma_wait3A_404 = arith.constant 0 : i32
      %dma_wait3A_405 = tpu.memref_slice %arg3[%dma_wait3A_403, %dma_wait3A_404] : memref<1000000x64xf32, #tpu.memory_space<hbm>> -> memref<1000000x64xf32, #tpu.memory_space<hbm>>
      %dma_wait3A_406 = tpu.memref_slice %arg7[%dma_wait3A_395] : memref<4x!tpu.dma_semaphore, #tpu.memory_space<semaphore_mem>> -> memref<1x!tpu.dma_semaphore, #tpu.memory_space<semaphore_mem>>
      %dma_wait3A_407 = tpu.memref_squeeze %dma_wait3A_406 : memref<1x!tpu.dma_semaphore, #tpu.memory_space<semaphore_mem>> -> memref<!tpu.dma_semaphore, #tpu.memory_space<semaphore_mem>>
      tpu.wait_indirect_dma semaphore(%dma_wait3A_407 : memref<!tpu.dma_semaphore, #tpu.memory_space<semaphore_mem>>) src(%dma_wait3A_405 : memref<1000000x64xf32, #tpu.memory_space<hbm>>) dst(%dma_wait3A_399 : memref<200x64xf32, #tpu.memory_space<vmem>>)
      %add3A_408 = arith.addi %mul3A_2, %add3A_392 : i32
      %dma_start3A_409 = arith.constant 1 : i32
      %dma_start3A_410 = arith.constant 1 : i32
      %dma_start3A_411 = arith.constant 0 : i32
      %dma_start3A_412 = arith.constant 0 : i32
      %dma_start3A_413 = arith.constant 0 : i32
      %dma_start3A_414 = tpu.memref_slice %arg6[%dma_start3A_409, %dma_start3A_411, %dma_start3A_412, %dma_start3A_413] : memref<4x1x200x64xf32, #tpu.memory_space<vmem>> -> memref<1x1x200x64xf32, #tpu.memory_space<vmem>>
      %dma_start3A_415 = tpu.memref_squeeze %dma_start3A_414 : memref<1x1x200x64xf32, #tpu.memory_space<vmem>> -> memref<1x200x64xf32, #tpu.memory_space<vmem>>
      %dma_start3A_416 = arith.constant 0 : i32
      %dma_start3A_417 = arith.constant 0 : i32
      %dma_start3A_418 = tpu.memref_slice %arg4[%add3A_408, %dma_start3A_416, %dma_start3A_417] : memref<4096x200x64xf32, #tpu.memory_space<hbm>> -> memref<1x200x64xf32, #tpu.memory_space<hbm>>
      %dma_start3A_419 = tpu.memref_slice %arg8[%dma_start3A_410] : memref<4x!tpu.dma_semaphore, #tpu.memory_space<semaphore_mem>> -> memref<1x!tpu.dma_semaphore, #tpu.memory_space<semaphore_mem>>
      %dma_start3A_420 = tpu.memref_squeeze %dma_start3A_419 : memref<1x!tpu.dma_semaphore, #tpu.memory_space<semaphore_mem>> -> memref<!tpu.dma_semaphore, #tpu.memory_space<semaphore_mem>>
      %dma_start3A_421 = arith.constant 0 : i32
      %dma_start3A_422 = arith.constant 0 : i32
      %dma_start3A_423 = tpu.memref_slice %arg4[%add3A_408, %dma_start3A_421, %dma_start3A_422] : memref<4096x200x64xf32, #tpu.memory_space<hbm>> -> memref<1x200x64xf32, #tpu.memory_space<hbm>>
      %dma_start3A_424 = arith.constant 0 : i32
      %dma_start3A_425 = arith.constant 0 : i32
      %dma_start3A_426 = arith.constant 0 : i32
      %dma_start3A_427 = tpu.memref_slice %arg6[%dma_start3A_409, %dma_start3A_424, %dma_start3A_425, %dma_start3A_426] : memref<4x1x200x64xf32, #tpu.memory_space<vmem>> -> memref<1x1x200x64xf32, #tpu.memory_space<vmem>>
      %dma_start3A_428 = tpu.memref_squeeze %dma_start3A_427 : memref<1x1x200x64xf32, #tpu.memory_space<vmem>> -> memref<1x200x64xf32, #tpu.memory_space<vmem>>
      tpu.enqueue_dma source(%dma_start3A_428 : memref<1x200x64xf32, #tpu.memory_space<vmem>>) target(%dma_start3A_423 : memref<1x200x64xf32, #tpu.memory_space<hbm>>) target_semaphore(%dma_start3A_420 : memref<!tpu.dma_semaphore, #tpu.memory_space<semaphore_mem>>)
      %add3A_429 = arith.addi %mul3A_2, %add3A_392 : i32
      %dma_wait3A_430 = arith.constant 1 : i32
      %dma_wait3A_431 = arith.constant 1 : i32
      %dma_wait3A_432 = arith.constant 0 : i32
      %dma_wait3A_433 = arith.constant 0 : i32
      %dma_wait3A_434 = arith.constant 0 : i32
      %dma_wait3A_435 = tpu.memref_slice %arg6[%dma_wait3A_430, %dma_wait3A_432, %dma_wait3A_433, %dma_wait3A_434] : memref<4x1x200x64xf32, #tpu.memory_space<vmem>> -> memref<1x1x200x64xf32, #tpu.memory_space<vmem>>
      %dma_wait3A_436 = tpu.memref_squeeze %dma_wait3A_435 : memref<1x1x200x64xf32, #tpu.memory_space<vmem>> -> memref<1x200x64xf32, #tpu.memory_space<vmem>>
      %dma_wait3A_437 = arith.constant 0 : i32
      %dma_wait3A_438 = arith.constant 0 : i32
      %dma_wait3A_439 = tpu.memref_slice %arg4[%add3A_429, %dma_wait3A_437, %dma_wait3A_438] : memref<4096x200x64xf32, #tpu.memory_space<hbm>> -> memref<1x200x64xf32, #tpu.memory_space<hbm>>
      %dma_wait3A_440 = tpu.memref_slice %arg8[%dma_wait3A_431] : memref<4x!tpu.dma_semaphore, #tpu.memory_space<semaphore_mem>> -> memref<1x!tpu.dma_semaphore, #tpu.memory_space<semaphore_mem>>
      %dma_wait3A_441 = tpu.memref_squeeze %dma_wait3A_440 : memref<1x!tpu.dma_semaphore, #tpu.memory_space<semaphore_mem>> -> memref<!tpu.dma_semaphore, #tpu.memory_space<semaphore_mem>>
      %dma_wait3A_442 = arith.constant 0 : i32
      %dma_wait3A_443 = arith.constant 0 : i32
      %dma_wait3A_444 = tpu.memref_slice %arg4[%add3A_429, %dma_wait3A_442, %dma_wait3A_443] : memref<4096x200x64xf32, #tpu.memory_space<hbm>> -> memref<1x200x64xf32, #tpu.memory_space<hbm>>
      %dma_wait3A_445 = arith.constant 0 : i32
      %dma_wait3A_446 = arith.constant 0 : i32
      %dma_wait3A_447 = arith.constant 0 : i32
      %dma_wait3A_448 = tpu.memref_slice %arg6[%dma_wait3A_430, %dma_wait3A_445, %dma_wait3A_446, %dma_wait3A_447] : memref<4x1x200x64xf32, #tpu.memory_space<vmem>> -> memref<1x1x200x64xf32, #tpu.memory_space<vmem>>
      %dma_wait3A_449 = tpu.memref_squeeze %dma_wait3A_448 : memref<1x1x200x64xf32, #tpu.memory_space<vmem>> -> memref<1x200x64xf32, #tpu.memory_space<vmem>>
      tpu.wait_dma2 semaphore(%dma_wait3A_441 : memref<!tpu.dma_semaphore, #tpu.memory_space<semaphore_mem>>) src(%dma_wait3A_449 : memref<1x200x64xf32, #tpu.memory_space<vmem>>) dst(%dma_wait3A_444 : memref<1x200x64xf32, #tpu.memory_space<hbm>>)
      %add3A_450 = arith.constant 4 : i32
      %add3A_451 = arith.addi %add3A_392, %add3A_450 : i32
      %dma_start3A_452 = arith.constant 1 : i32
      %dma_start3A_453 = arith.constant 0 : i32
      %dma_start3A_454 = arith.constant 1 : i32
      %dma_start3A_455 = arith.constant 0 : i32
      %dma_start3A_456 = arith.constant 0 : i32
      %dma_start3A_457 = tpu.memref_slice %arg6[%dma_start3A_452, %dma_start3A_453, %dma_start3A_455, %dma_start3A_456] : memref<4x1x200x64xf32, #tpu.memory_space<vmem>> -> memref<1x1x200x64xf32, #tpu.memory_space<vmem>>
      %dma_start3A_458 = tpu.memref_squeeze %dma_start3A_457 : memref<1x1x200x64xf32, #tpu.memory_space<vmem>> -> memref<200x64xf32, #tpu.memory_space<vmem>>
      %dma_start3A_459 = arith.constant 0 : i32
      %dma_start3A_460 = tpu.memref_slice %arg5[%add3A_451, %dma_start3A_459] : memref<128x200xi32, #tpu.memory_space<vmem>> -> memref<1x200xi32, #tpu.memory_space<vmem>>
      %dma_start3A_461 = tpu.memref_squeeze %dma_start3A_460 : memref<1x200xi32, #tpu.memory_space<vmem>> -> memref<200xi32, #tpu.memory_space<vmem>>
      %dma_start3A_462 = arith.constant 0 : i32
      %dma_start3A_463 = arith.constant 0 : i32
      %dma_start3A_464 = tpu.memref_slice %arg3[%dma_start3A_462, %dma_start3A_463] : memref<1000000x64xf32, #tpu.memory_space<hbm>> -> memref<1000000x64xf32, #tpu.memory_space<hbm>>
      %dma_start3A_465 = tpu.memref_slice %arg7[%dma_start3A_454] : memref<4x!tpu.dma_semaphore, #tpu.memory_space<semaphore_mem>> -> memref<1x!tpu.dma_semaphore, #tpu.memory_space<semaphore_mem>>
      %dma_start3A_466 = tpu.memref_squeeze %dma_start3A_465 : memref<1x!tpu.dma_semaphore, #tpu.memory_space<semaphore_mem>> -> memref<!tpu.dma_semaphore, #tpu.memory_space<semaphore_mem>>
      tpu.enqueue_indirect_dma source(%dma_start3A_464 : memref<1000000x64xf32, #tpu.memory_space<hbm>>) target(%dma_start3A_458 : memref<200x64xf32, #tpu.memory_space<vmem>>) offsets(%dma_start3A_461 : memref<200xi32, #tpu.memory_space<vmem>>) semaphore(%dma_start3A_466 : memref<!tpu.dma_semaphore, #tpu.memory_space<semaphore_mem>>)
      %mul3A_467 = arith.constant 4 : i32
      %mul3A_468 = arith.muli %scan3A_310, %mul3A_467 : i32
      %add3A_469 = arith.constant 2 : i32
      %add3A_470 = arith.addi %mul3A_468, %add3A_469 : i32
      %dma_wait3A_471 = arith.constant 2 : i32
      %dma_wait3A_472 = arith.constant 0 : i32
      %dma_wait3A_473 = arith.constant 2 : i32
      %dma_wait3A_474 = arith.constant 0 : i32
      %dma_wait3A_475 = arith.constant 0 : i32
      %dma_wait3A_476 = tpu.memref_slice %arg6[%dma_wait3A_471, %dma_wait3A_472, %dma_wait3A_474, %dma_wait3A_475] : memref<4x1x200x64xf32, #tpu.memory_space<vmem>> -> memref<1x1x200x64xf32, #tpu.memory_space<vmem>>
      %dma_wait3A_477 = tpu.memref_squeeze %dma_wait3A_476 : memref<1x1x200x64xf32, #tpu.memory_space<vmem>> -> memref<200x64xf32, #tpu.memory_space<vmem>>
      %dma_wait3A_478 = arith.constant 0 : i32
      %dma_wait3A_479 = tpu.memref_slice %arg5[%add3A_470, %dma_wait3A_478] : memref<128x200xi32, #tpu.memory_space<vmem>> -> memref<1x200xi32, #tpu.memory_space<vmem>>
      %dma_wait3A_480 = tpu.memref_squeeze %dma_wait3A_479 : memref<1x200xi32, #tpu.memory_space<vmem>> -> memref<200xi32, #tpu.memory_space<vmem>>
      %dma_wait3A_481 = arith.constant 0 : i32
      %dma_wait3A_482 = arith.constant 0 : i32
      %dma_wait3A_483 = tpu.memref_slice %arg3[%dma_wait3A_481, %dma_wait3A_482] : memref<1000000x64xf32, #tpu.memory_space<hbm>> -> memref<1000000x64xf32, #tpu.memory_space<hbm>>
      %dma_wait3A_484 = tpu.memref_slice %arg7[%dma_wait3A_473] : memref<4x!tpu.dma_semaphore, #tpu.memory_space<semaphore_mem>> -> memref<1x!tpu.dma_semaphore, #tpu.memory_space<semaphore_mem>>
      %dma_wait3A_485 = tpu.memref_squeeze %dma_wait3A_484 : memref<1x!tpu.dma_semaphore, #tpu.memory_space<semaphore_mem>> -> memref<!tpu.dma_semaphore, #tpu.memory_space<semaphore_mem>>
      tpu.wait_indirect_dma semaphore(%dma_wait3A_485 : memref<!tpu.dma_semaphore, #tpu.memory_space<semaphore_mem>>) src(%dma_wait3A_483 : memref<1000000x64xf32, #tpu.memory_space<hbm>>) dst(%dma_wait3A_477 : memref<200x64xf32, #tpu.memory_space<vmem>>)
      %add3A_486 = arith.addi %mul3A_2, %add3A_470 : i32
      %dma_start3A_487 = arith.constant 2 : i32
      %dma_start3A_488 = arith.constant 2 : i32
      %dma_start3A_489 = arith.constant 0 : i32
      %dma_start3A_490 = arith.constant 0 : i32
      %dma_start3A_491 = arith.constant 0 : i32
      %dma_start3A_492 = tpu.memref_slice %arg6[%dma_start3A_487, %dma_start3A_489, %dma_start3A_490, %dma_start3A_491] : memref<4x1x200x64xf32, #tpu.memory_space<vmem>> -> memref<1x1x200x64xf32, #tpu.memory_space<vmem>>
      %dma_start3A_493 = tpu.memref_squeeze %dma_start3A_492 : memref<1x1x200x64xf32, #tpu.memory_space<vmem>> -> memref<1x200x64xf32, #tpu.memory_space<vmem>>
      %dma_start3A_494 = arith.constant 0 : i32
      %dma_start3A_495 = arith.constant 0 : i32
      %dma_start3A_496 = tpu.memref_slice %arg4[%add3A_486, %dma_start3A_494, %dma_start3A_495] : memref<4096x200x64xf32, #tpu.memory_space<hbm>> -> memref<1x200x64xf32, #tpu.memory_space<hbm>>
      %dma_start3A_497 = tpu.memref_slice %arg8[%dma_start3A_488] : memref<4x!tpu.dma_semaphore, #tpu.memory_space<semaphore_mem>> -> memref<1x!tpu.dma_semaphore, #tpu.memory_space<semaphore_mem>>
      %dma_start3A_498 = tpu.memref_squeeze %dma_start3A_497 : memref<1x!tpu.dma_semaphore, #tpu.memory_space<semaphore_mem>> -> memref<!tpu.dma_semaphore, #tpu.memory_space<semaphore_mem>>
      %dma_start3A_499 = arith.constant 0 : i32
      %dma_start3A_500 = arith.constant 0 : i32
      %dma_start3A_501 = tpu.memref_slice %arg4[%add3A_486, %dma_start3A_499, %dma_start3A_500] : memref<4096x200x64xf32, #tpu.memory_space<hbm>> -> memref<1x200x64xf32, #tpu.memory_space<hbm>>
      %dma_start3A_502 = arith.constant 0 : i32
      %dma_start3A_503 = arith.constant 0 : i32
      %dma_start3A_504 = arith.constant 0 : i32
      %dma_start3A_505 = tpu.memref_slice %arg6[%dma_start3A_487, %dma_start3A_502, %dma_start3A_503, %dma_start3A_504] : memref<4x1x200x64xf32, #tpu.memory_space<vmem>> -> memref<1x1x200x64xf32, #tpu.memory_space<vmem>>
      %dma_start3A_506 = tpu.memref_squeeze %dma_start3A_505 : memref<1x1x200x64xf32, #tpu.memory_space<vmem>> -> memref<1x200x64xf32, #tpu.memory_space<vmem>>
      tpu.enqueue_dma source(%dma_start3A_506 : memref<1x200x64xf32, #tpu.memory_space<vmem>>) target(%dma_start3A_501 : memref<1x200x64xf32, #tpu.memory_space<hbm>>) target_semaphore(%dma_start3A_498 : memref<!tpu.dma_semaphore, #tpu.memory_space<semaphore_mem>>)
      %add3A_507 = arith.addi %mul3A_2, %add3A_470 : i32
      %dma_wait3A_508 = arith.constant 2 : i32
      %dma_wait3A_509 = arith.constant 2 : i32
      %dma_wait3A_510 = arith.constant 0 : i32
      %dma_wait3A_511 = arith.constant 0 : i32
      %dma_wait3A_512 = arith.constant 0 : i32
      %dma_wait3A_513 = tpu.memref_slice %arg6[%dma_wait3A_508, %dma_wait3A_510, %dma_wait3A_511, %dma_wait3A_512] : memref<4x1x200x64xf32, #tpu.memory_space<vmem>> -> memref<1x1x200x64xf32, #tpu.memory_space<vmem>>
      %dma_wait3A_514 = tpu.memref_squeeze %dma_wait3A_513 : memref<1x1x200x64xf32, #tpu.memory_space<vmem>> -> memref<1x200x64xf32, #tpu.memory_space<vmem>>
      %dma_wait3A_515 = arith.constant 0 : i32
      %dma_wait3A_516 = arith.constant 0 : i32
      %dma_wait3A_517 = tpu.memref_slice %arg4[%add3A_507, %dma_wait3A_515, %dma_wait3A_516] : memref<4096x200x64xf32, #tpu.memory_space<hbm>> -> memref<1x200x64xf32, #tpu.memory_space<hbm>>
      %dma_wait3A_518 = tpu.memref_slice %arg8[%dma_wait3A_509] : memref<4x!tpu.dma_semaphore, #tpu.memory_space<semaphore_mem>> -> memref<1x!tpu.dma_semaphore, #tpu.memory_space<semaphore_mem>>
      %dma_wait3A_519 = tpu.memref_squeeze %dma_wait3A_518 : memref<1x!tpu.dma_semaphore, #tpu.memory_space<semaphore_mem>> -> memref<!tpu.dma_semaphore, #tpu.memory_space<semaphore_mem>>
      %dma_wait3A_520 = arith.constant 0 : i32
      %dma_wait3A_521 = arith.constant 0 : i32
      %dma_wait3A_522 = tpu.memref_slice %arg4[%add3A_507, %dma_wait3A_520, %dma_wait3A_521] : memref<4096x200x64xf32, #tpu.memory_space<hbm>> -> memref<1x200x64xf32, #tpu.memory_space<hbm>>
      %dma_wait3A_523 = arith.constant 0 : i32
      %dma_wait3A_524 = arith.constant 0 : i32
      %dma_wait3A_525 = arith.constant 0 : i32
      %dma_wait3A_526 = tpu.memref_slice %arg6[%dma_wait3A_508, %dma_wait3A_523, %dma_wait3A_524, %dma_wait3A_525] : memref<4x1x200x64xf32, #tpu.memory_space<vmem>> -> memref<1x1x200x64xf32, #tpu.memory_space<vmem>>
      %dma_wait3A_527 = tpu.memref_squeeze %dma_wait3A_526 : memref<1x1x200x64xf32, #tpu.memory_space<vmem>> -> memref<1x200x64xf32, #tpu.memory_space<vmem>>
      tpu.wait_dma2 semaphore(%dma_wait3A_519 : memref<!tpu.dma_semaphore, #tpu.memory_space<semaphore_mem>>) src(%dma_wait3A_527 : memref<1x200x64xf32, #tpu.memory_space<vmem>>) dst(%dma_wait3A_522 : memref<1x200x64xf32, #tpu.memory_space<hbm>>)
      %add3A_528 = arith.constant 4 : i32
      %add3A_529 = arith.addi %add3A_470, %add3A_528 : i32
      %dma_start3A_530 = arith.constant 2 : i32
      %dma_start3A_531 = arith.constant 0 : i32
      %dma_start3A_532 = arith.constant 2 : i32
      %dma_start3A_533 = arith.constant 0 : i32
      %dma_start3A_534 = arith.constant 0 : i32
      %dma_start3A_535 = tpu.memref_slice %arg6[%dma_start3A_530, %dma_start3A_531, %dma_start3A_533, %dma_start3A_534] : memref<4x1x200x64xf32, #tpu.memory_space<vmem>> -> memref<1x1x200x64xf32, #tpu.memory_space<vmem>>
      %dma_start3A_536 = tpu.memref_squeeze %dma_start3A_535 : memref<1x1x200x64xf32, #tpu.memory_space<vmem>> -> memref<200x64xf32, #tpu.memory_space<vmem>>
      %dma_start3A_537 = arith.constant 0 : i32
      %dma_start3A_538 = tpu.memref_slice %arg5[%add3A_529, %dma_start3A_537] : memref<128x200xi32, #tpu.memory_space<vmem>> -> memref<1x200xi32, #tpu.memory_space<vmem>>
      %dma_start3A_539 = tpu.memref_squeeze %dma_start3A_538 : memref<1x200xi32, #tpu.memory_space<vmem>> -> memref<200xi32, #tpu.memory_space<vmem>>
      %dma_start3A_540 = arith.constant 0 : i32
      %dma_start3A_541 = arith.constant 0 : i32
      %dma_start3A_542 = tpu.memref_slice %arg3[%dma_start3A_540, %dma_start3A_541] : memref<1000000x64xf32, #tpu.memory_space<hbm>> -> memref<1000000x64xf32, #tpu.memory_space<hbm>>
      %dma_start3A_543 = tpu.memref_slice %arg7[%dma_start3A_532] : memref<4x!tpu.dma_semaphore, #tpu.memory_space<semaphore_mem>> -> memref<1x!tpu.dma_semaphore, #tpu.memory_space<semaphore_mem>>
      %dma_start3A_544 = tpu.memref_squeeze %dma_start3A_543 : memref<1x!tpu.dma_semaphore, #tpu.memory_space<semaphore_mem>> -> memref<!tpu.dma_semaphore, #tpu.memory_space<semaphore_mem>>
      tpu.enqueue_indirect_dma source(%dma_start3A_542 : memref<1000000x64xf32, #tpu.memory_space<hbm>>) target(%dma_start3A_536 : memref<200x64xf32, #tpu.memory_space<vmem>>) offsets(%dma_start3A_539 : memref<200xi32, #tpu.memory_space<vmem>>) semaphore(%dma_start3A_544 : memref<!tpu.dma_semaphore, #tpu.memory_space<semaphore_mem>>)
      %mul3A_545 = arith.constant 4 : i32
      %mul3A_546 = arith.muli %scan3A_310, %mul3A_545 : i32
      %add3A_547 = arith.constant 3 : i32
      %add3A_548 = arith.addi %mul3A_546, %add3A_547 : i32
      %dma_wait3A_549 = arith.constant 3 : i32
      %dma_wait3A_550 = arith.constant 0 : i32
      %dma_wait3A_551 = arith.constant 3 : i32
      %dma_wait3A_552 = arith.constant 0 : i32
      %dma_wait3A_553 = arith.constant 0 : i32
      %dma_wait3A_554 = tpu.memref_slice %arg6[%dma_wait3A_549, %dma_wait3A_550, %dma_wait3A_552, %dma_wait3A_553] : memref<4x1x200x64xf32, #tpu.memory_space<vmem>> -> memref<1x1x200x64xf32, #tpu.memory_space<vmem>>
      %dma_wait3A_555 = tpu.memref_squeeze %dma_wait3A_554 : memref<1x1x200x64xf32, #tpu.memory_space<vmem>> -> memref<200x64xf32, #tpu.memory_space<vmem>>
      %dma_wait3A_556 = arith.constant 0 : i32
      %dma_wait3A_557 = tpu.memref_slice %arg5[%add3A_548, %dma_wait3A_556] : memref<128x200xi32, #tpu.memory_space<vmem>> -> memref<1x200xi32, #tpu.memory_space<vmem>>
      %dma_wait3A_558 = tpu.memref_squeeze %dma_wait3A_557 : memref<1x200xi32, #tpu.memory_space<vmem>> -> memref<200xi32, #tpu.memory_space<vmem>>
      %dma_wait3A_559 = arith.constant 0 : i32
      %dma_wait3A_560 = arith.constant 0 : i32
      %dma_wait3A_561 = tpu.memref_slice %arg3[%dma_wait3A_559, %dma_wait3A_560] : memref<1000000x64xf32, #tpu.memory_space<hbm>> -> memref<1000000x64xf32, #tpu.memory_space<hbm>>
      %dma_wait3A_562 = tpu.memref_slice %arg7[%dma_wait3A_551] : memref<4x!tpu.dma_semaphore, #tpu.memory_space<semaphore_mem>> -> memref<1x!tpu.dma_semaphore, #tpu.memory_space<semaphore_mem>>
      %dma_wait3A_563 = tpu.memref_squeeze %dma_wait3A_562 : memref<1x!tpu.dma_semaphore, #tpu.memory_space<semaphore_mem>> -> memref<!tpu.dma_semaphore, #tpu.memory_space<semaphore_mem>>
      tpu.wait_indirect_dma semaphore(%dma_wait3A_563 : memref<!tpu.dma_semaphore, #tpu.memory_space<semaphore_mem>>) src(%dma_wait3A_561 : memref<1000000x64xf32, #tpu.memory_space<hbm>>) dst(%dma_wait3A_555 : memref<200x64xf32, #tpu.memory_space<vmem>>)
      %add3A_564 = arith.addi %mul3A_2, %add3A_548 : i32
      %dma_start3A_565 = arith.constant 3 : i32
      %dma_start3A_566 = arith.constant 3 : i32
      %dma_start3A_567 = arith.constant 0 : i32
      %dma_start3A_568 = arith.constant 0 : i32
      %dma_start3A_569 = arith.constant 0 : i32
      %dma_start3A_570 = tpu.memref_slice %arg6[%dma_start3A_565, %dma_start3A_567, %dma_start3A_568, %dma_start3A_569] : memref<4x1x200x64xf32, #tpu.memory_space<vmem>> -> memref<1x1x200x64xf32, #tpu.memory_space<vmem>>
      %dma_start3A_571 = tpu.memref_squeeze %dma_start3A_570 : memref<1x1x200x64xf32, #tpu.memory_space<vmem>> -> memref<1x200x64xf32, #tpu.memory_space<vmem>>
      %dma_start3A_572 = arith.constant 0 : i32
      %dma_start3A_573 = arith.constant 0 : i32
      %dma_start3A_574 = tpu.memref_slice %arg4[%add3A_564, %dma_start3A_572, %dma_start3A_573] : memref<4096x200x64xf32, #tpu.memory_space<hbm>> -> memref<1x200x64xf32, #tpu.memory_space<hbm>>
      %dma_start3A_575 = tpu.memref_slice %arg8[%dma_start3A_566] : memref<4x!tpu.dma_semaphore, #tpu.memory_space<semaphore_mem>> -> memref<1x!tpu.dma_semaphore, #tpu.memory_space<semaphore_mem>>
      %dma_start3A_576 = tpu.memref_squeeze %dma_start3A_575 : memref<1x!tpu.dma_semaphore, #tpu.memory_space<semaphore_mem>> -> memref<!tpu.dma_semaphore, #tpu.memory_space<semaphore_mem>>
      %dma_start3A_577 = arith.constant 0 : i32
      %dma_start3A_578 = arith.constant 0 : i32
      %dma_start3A_579 = tpu.memref_slice %arg4[%add3A_564, %dma_start3A_577, %dma_start3A_578] : memref<4096x200x64xf32, #tpu.memory_space<hbm>> -> memref<1x200x64xf32, #tpu.memory_space<hbm>>
      %dma_start3A_580 = arith.constant 0 : i32
      %dma_start3A_581 = arith.constant 0 : i32
      %dma_start3A_582 = arith.constant 0 : i32
      %dma_start3A_583 = tpu.memref_slice %arg6[%dma_start3A_565, %dma_start3A_580, %dma_start3A_581, %dma_start3A_582] : memref<4x1x200x64xf32, #tpu.memory_space<vmem>> -> memref<1x1x200x64xf32, #tpu.memory_space<vmem>>
      %dma_start3A_584 = tpu.memref_squeeze %dma_start3A_583 : memref<1x1x200x64xf32, #tpu.memory_space<vmem>> -> memref<1x200x64xf32, #tpu.memory_space<vmem>>
      tpu.enqueue_dma source(%dma_start3A_584 : memref<1x200x64xf32, #tpu.memory_space<vmem>>) target(%dma_start3A_579 : memref<1x200x64xf32, #tpu.memory_space<hbm>>) target_semaphore(%dma_start3A_576 : memref<!tpu.dma_semaphore, #tpu.memory_space<semaphore_mem>>)
      %add3A_585 = arith.addi %mul3A_2, %add3A_548 : i32
      %dma_wait3A_586 = arith.constant 3 : i32
      %dma_wait3A_587 = arith.constant 3 : i32
      %dma_wait3A_588 = arith.constant 0 : i32
      %dma_wait3A_589 = arith.constant 0 : i32
      %dma_wait3A_590 = arith.constant 0 : i32
      %dma_wait3A_591 = tpu.memref_slice %arg6[%dma_wait3A_586, %dma_wait3A_588, %dma_wait3A_589, %dma_wait3A_590] : memref<4x1x200x64xf32, #tpu.memory_space<vmem>> -> memref<1x1x200x64xf32, #tpu.memory_space<vmem>>
      %dma_wait3A_592 = tpu.memref_squeeze %dma_wait3A_591 : memref<1x1x200x64xf32, #tpu.memory_space<vmem>> -> memref<1x200x64xf32, #tpu.memory_space<vmem>>
      %dma_wait3A_593 = arith.constant 0 : i32
      %dma_wait3A_594 = arith.constant 0 : i32
      %dma_wait3A_595 = tpu.memref_slice %arg4[%add3A_585, %dma_wait3A_593, %dma_wait3A_594] : memref<4096x200x64xf32, #tpu.memory_space<hbm>> -> memref<1x200x64xf32, #tpu.memory_space<hbm>>
      %dma_wait3A_596 = tpu.memref_slice %arg8[%dma_wait3A_587] : memref<4x!tpu.dma_semaphore, #tpu.memory_space<semaphore_mem>> -> memref<1x!tpu.dma_semaphore, #tpu.memory_space<semaphore_mem>>
      %dma_wait3A_597 = tpu.memref_squeeze %dma_wait3A_596 : memref<1x!tpu.dma_semaphore, #tpu.memory_space<semaphore_mem>> -> memref<!tpu.dma_semaphore, #tpu.memory_space<semaphore_mem>>
      %dma_wait3A_598 = arith.constant 0 : i32
      %dma_wait3A_599 = arith.constant 0 : i32
      %dma_wait3A_600 = tpu.memref_slice %arg4[%add3A_585, %dma_wait3A_598, %dma_wait3A_599] : memref<4096x200x64xf32, #tpu.memory_space<hbm>> -> memref<1x200x64xf32, #tpu.memory_space<hbm>>
      %dma_wait3A_601 = arith.constant 0 : i32
      %dma_wait3A_602 = arith.constant 0 : i32
      %dma_wait3A_603 = arith.constant 0 : i32
      %dma_wait3A_604 = tpu.memref_slice %arg6[%dma_wait3A_586, %dma_wait3A_601, %dma_wait3A_602, %dma_wait3A_603] : memref<4x1x200x64xf32, #tpu.memory_space<vmem>> -> memref<1x1x200x64xf32, #tpu.memory_space<vmem>>
      %dma_wait3A_605 = tpu.memref_squeeze %dma_wait3A_604 : memref<1x1x200x64xf32, #tpu.memory_space<vmem>> -> memref<1x200x64xf32, #tpu.memory_space<vmem>>
      tpu.wait_dma2 semaphore(%dma_wait3A_597 : memref<!tpu.dma_semaphore, #tpu.memory_space<semaphore_mem>>) src(%dma_wait3A_605 : memref<1x200x64xf32, #tpu.memory_space<vmem>>) dst(%dma_wait3A_600 : memref<1x200x64xf32, #tpu.memory_space<hbm>>)
      %add3A_606 = arith.constant 4 : i32
      %add3A_607 = arith.addi %add3A_548, %add3A_606 : i32
      %dma_start3A_608 = arith.constant 3 : i32
      %dma_start3A_609 = arith.constant 0 : i32
      %dma_start3A_610 = arith.constant 3 : i32
      %dma_start3A_611 = arith.constant 0 : i32
      %dma_start3A_612 = arith.constant 0 : i32
      %dma_start3A_613 = tpu.memref_slice %arg6[%dma_start3A_608, %dma_start3A_609, %dma_start3A_611, %dma_start3A_612] : memref<4x1x200x64xf32, #tpu.memory_space<vmem>> -> memref<1x1x200x64xf32, #tpu.memory_space<vmem>>
      %dma_start3A_614 = tpu.memref_squeeze %dma_start3A_613 : memref<1x1x200x64xf32, #tpu.memory_space<vmem>> -> memref<200x64xf32, #tpu.memory_space<vmem>>
      %dma_start3A_615 = arith.constant 0 : i32
      %dma_start3A_616 = tpu.memref_slice %arg5[%add3A_607, %dma_start3A_615] : memref<128x200xi32, #tpu.memory_space<vmem>> -> memref<1x200xi32, #tpu.memory_space<vmem>>
      %dma_start3A_617 = tpu.memref_squeeze %dma_start3A_616 : memref<1x200xi32, #tpu.memory_space<vmem>> -> memref<200xi32, #tpu.memory_space<vmem>>
      %dma_start3A_618 = arith.constant 0 : i32
      %dma_start3A_619 = arith.constant 0 : i32
      %dma_start3A_620 = tpu.memref_slice %arg3[%dma_start3A_618, %dma_start3A_619] : memref<1000000x64xf32, #tpu.memory_space<hbm>> -> memref<1000000x64xf32, #tpu.memory_space<hbm>>
      %dma_start3A_621 = tpu.memref_slice %arg7[%dma_start3A_610] : memref<4x!tpu.dma_semaphore, #tpu.memory_space<semaphore_mem>> -> memref<1x!tpu.dma_semaphore, #tpu.memory_space<semaphore_mem>>
      %dma_start3A_622 = tpu.memref_squeeze %dma_start3A_621 : memref<1x!tpu.dma_semaphore, #tpu.memory_space<semaphore_mem>> -> memref<!tpu.dma_semaphore, #tpu.memory_space<semaphore_mem>>
      tpu.enqueue_indirect_dma source(%dma_start3A_620 : memref<1000000x64xf32, #tpu.memory_space<hbm>>) target(%dma_start3A_614 : memref<200x64xf32, #tpu.memory_space<vmem>>) offsets(%dma_start3A_617 : memref<200xi32, #tpu.memory_space<vmem>>) semaphore(%dma_start3A_622 : memref<!tpu.dma_semaphore, #tpu.memory_space<semaphore_mem>>)
    }
    %scan3A_70 = arith.constant 31 : i32
    %dma_wait3A = arith.constant 124 : i32
    %dma_wait3A_71 = arith.constant 0 : i32
    %dma_wait3A_72 = arith.constant 0 : i32
    %dma_wait3A_73 = arith.constant 0 : i32
    %dma_wait3A_74 = arith.constant 0 : i32
    %dma_wait3A_75 = arith.constant 0 : i32
    %dma_wait3A_76 = tpu.memref_slice %arg6[%dma_wait3A_71, %dma_wait3A_72, %dma_wait3A_74, %dma_wait3A_75] : memref<4x1x200x64xf32, #tpu.memory_space<vmem>> -> memref<1x1x200x64xf32, #tpu.memory_space<vmem>>
    %dma_wait3A_77 = tpu.memref_squeeze %dma_wait3A_76 : memref<1x1x200x64xf32, #tpu.memory_space<vmem>> -> memref<200x64xf32, #tpu.memory_space<vmem>>
    %dma_wait3A_78 = arith.constant 0 : i32
    %dma_wait3A_79 = tpu.memref_slice %arg5[%dma_wait3A, %dma_wait3A_78] : memref<128x200xi32, #tpu.memory_space<vmem>> -> memref<1x200xi32, #tpu.memory_space<vmem>>
    %dma_wait3A_80 = tpu.memref_squeeze %dma_wait3A_79 : memref<1x200xi32, #tpu.memory_space<vmem>> -> memref<200xi32, #tpu.memory_space<vmem>>
    %dma_wait3A_81 = arith.constant 0 : i32
    %dma_wait3A_82 = arith.constant 0 : i32
    %dma_wait3A_83 = tpu.memref_slice %arg3[%dma_wait3A_81, %dma_wait3A_82] : memref<1000000x64xf32, #tpu.memory_space<hbm>> -> memref<1000000x64xf32, #tpu.memory_space<hbm>>
    %dma_wait3A_84 = tpu.memref_slice %arg7[%dma_wait3A_73] : memref<4x!tpu.dma_semaphore, #tpu.memory_space<semaphore_mem>> -> memref<1x!tpu.dma_semaphore, #tpu.memory_space<semaphore_mem>>
    %dma_wait3A_85 = tpu.memref_squeeze %dma_wait3A_84 : memref<1x!tpu.dma_semaphore, #tpu.memory_space<semaphore_mem>> -> memref<!tpu.dma_semaphore, #tpu.memory_space<semaphore_mem>>
    tpu.wait_indirect_dma semaphore(%dma_wait3A_85 : memref<!tpu.dma_semaphore, #tpu.memory_space<semaphore_mem>>) src(%dma_wait3A_83 : memref<1000000x64xf32, #tpu.memory_space<hbm>>) dst(%dma_wait3A_77 : memref<200x64xf32, #tpu.memory_space<vmem>>)
    %add3A_86 = arith.constant 124 : i32
    %add3A_87 = arith.addi %mul3A_2, %add3A_86 : i32
    %dma_start3A_88 = arith.constant 0 : i32
    %dma_start3A_89 = arith.constant 0 : i32
    %dma_start3A_90 = arith.constant 0 : i32
    %dma_start3A_91 = arith.constant 0 : i32
    %dma_start3A_92 = arith.constant 0 : i32
    %dma_start3A_93 = tpu.memref_slice %arg6[%dma_start3A_88, %dma_start3A_90, %dma_start3A_91, %dma_start3A_92] : memref<4x1x200x64xf32, #tpu.memory_space<vmem>> -> memref<1x1x200x64xf32, #tpu.memory_space<vmem>>
    %dma_start3A_94 = tpu.memref_squeeze %dma_start3A_93 : memref<1x1x200x64xf32, #tpu.memory_space<vmem>> -> memref<1x200x64xf32, #tpu.memory_space<vmem>>
    %dma_start3A_95 = arith.constant 0 : i32
    %dma_start3A_96 = arith.constant 0 : i32
    %dma_start3A_97 = tpu.memref_slice %arg4[%add3A_87, %dma_start3A_95, %dma_start3A_96] : memref<4096x200x64xf32, #tpu.memory_space<hbm>> -> memref<1x200x64xf32, #tpu.memory_space<hbm>>
    %dma_start3A_98 = tpu.memref_slice %arg8[%dma_start3A_89] : memref<4x!tpu.dma_semaphore, #tpu.memory_space<semaphore_mem>> -> memref<1x!tpu.dma_semaphore, #tpu.memory_space<semaphore_mem>>
    %dma_start3A_99 = tpu.memref_squeeze %dma_start3A_98 : memref<1x!tpu.dma_semaphore, #tpu.memory_space<semaphore_mem>> -> memref<!tpu.dma_semaphore, #tpu.memory_space<semaphore_mem>>
    %dma_start3A_100 = arith.constant 0 : i32
    %dma_start3A_101 = arith.constant 0 : i32
    %dma_start3A_102 = tpu.memref_slice %arg4[%add3A_87, %dma_start3A_100, %dma_start3A_101] : memref<4096x200x64xf32, #tpu.memory_space<hbm>> -> memref<1x200x64xf32, #tpu.memory_space<hbm>>
    %dma_start3A_103 = arith.constant 0 : i32
    %dma_start3A_104 = arith.constant 0 : i32
    %dma_start3A_105 = arith.constant 0 : i32
    %dma_start3A_106 = tpu.memref_slice %arg6[%dma_start3A_88, %dma_start3A_103, %dma_start3A_104, %dma_start3A_105] : memref<4x1x200x64xf32, #tpu.memory_space<vmem>> -> memref<1x1x200x64xf32, #tpu.memory_space<vmem>>
    %dma_start3A_107 = tpu.memref_squeeze %dma_start3A_106 : memref<1x1x200x64xf32, #tpu.memory_space<vmem>> -> memref<1x200x64xf32, #tpu.memory_space<vmem>>
    tpu.enqueue_dma source(%dma_start3A_107 : memref<1x200x64xf32, #tpu.memory_space<vmem>>) target(%dma_start3A_102 : memref<1x200x64xf32, #tpu.memory_space<hbm>>) target_semaphore(%dma_start3A_99 : memref<!tpu.dma_semaphore, #tpu.memory_space<semaphore_mem>>)
    %add3A_108 = arith.constant 124 : i32
    %add3A_109 = arith.addi %mul3A_2, %add3A_108 : i32
    %dma_wait3A_110 = arith.constant 0 : i32
    %dma_wait3A_111 = arith.constant 0 : i32
    %dma_wait3A_112 = arith.constant 0 : i32
    %dma_wait3A_113 = arith.constant 0 : i32
    %dma_wait3A_114 = arith.constant 0 : i32
    %dma_wait3A_115 = tpu.memref_slice %arg6[%dma_wait3A_110, %dma_wait3A_112, %dma_wait3A_113, %dma_wait3A_114] : memref<4x1x200x64xf32, #tpu.memory_space<vmem>> -> memref<1x1x200x64xf32, #tpu.memory_space<vmem>>
    %dma_wait3A_116 = tpu.memref_squeeze %dma_wait3A_115 : memref<1x1x200x64xf32, #tpu.memory_space<vmem>> -> memref<1x200x64xf32, #tpu.memory_space<vmem>>
    %dma_wait3A_117 = arith.constant 0 : i32
    %dma_wait3A_118 = arith.constant 0 : i32
    %dma_wait3A_119 = tpu.memref_slice %arg4[%add3A_109, %dma_wait3A_117, %dma_wait3A_118] : memref<4096x200x64xf32, #tpu.memory_space<hbm>> -> memref<1x200x64xf32, #tpu.memory_space<hbm>>
    %dma_wait3A_120 = tpu.memref_slice %arg8[%dma_wait3A_111] : memref<4x!tpu.dma_semaphore, #tpu.memory_space<semaphore_mem>> -> memref<1x!tpu.dma_semaphore, #tpu.memory_space<semaphore_mem>>
    %dma_wait3A_121 = tpu.memref_squeeze %dma_wait3A_120 : memref<1x!tpu.dma_semaphore, #tpu.memory_space<semaphore_mem>> -> memref<!tpu.dma_semaphore, #tpu.memory_space<semaphore_mem>>
    %dma_wait3A_122 = arith.constant 0 : i32
    %dma_wait3A_123 = arith.constant 0 : i32
    %dma_wait3A_124 = tpu.memref_slice %arg4[%add3A_109, %dma_wait3A_122, %dma_wait3A_123] : memref<4096x200x64xf32, #tpu.memory_space<hbm>> -> memref<1x200x64xf32, #tpu.memory_space<hbm>>
    %dma_wait3A_125 = arith.constant 0 : i32
    %dma_wait3A_126 = arith.constant 0 : i32
    %dma_wait3A_127 = arith.constant 0 : i32
    %dma_wait3A_128 = tpu.memref_slice %arg6[%dma_wait3A_110, %dma_wait3A_125, %dma_wait3A_126, %dma_wait3A_127] : memref<4x1x200x64xf32, #tpu.memory_space<vmem>> -> memref<1x1x200x64xf32, #tpu.memory_space<vmem>>
    %dma_wait3A_129 = tpu.memref_squeeze %dma_wait3A_128 : memref<1x1x200x64xf32, #tpu.memory_space<vmem>> -> memref<1x200x64xf32, #tpu.memory_space<vmem>>
    tpu.wait_dma2 semaphore(%dma_wait3A_121 : memref<!tpu.dma_semaphore, #tpu.memory_space<semaphore_mem>>) src(%dma_wait3A_129 : memref<1x200x64xf32, #tpu.memory_space<vmem>>) dst(%dma_wait3A_124 : memref<1x200x64xf32, #tpu.memory_space<hbm>>)
    %dma_wait3A_130 = arith.constant 125 : i32
    %dma_wait3A_131 = arith.constant 1 : i32
    %dma_wait3A_132 = arith.constant 0 : i32
    %dma_wait3A_133 = arith.constant 1 : i32
    %dma_wait3A_134 = arith.constant 0 : i32
    %dma_wait3A_135 = arith.constant 0 : i32
    %dma_wait3A_136 = tpu.memref_slice %arg6[%dma_wait3A_131, %dma_wait3A_132, %dma_wait3A_134, %dma_wait3A_135] : memref<4x1x200x64xf32, #tpu.memory_space<vmem>> -> memref<1x1x200x64xf32, #tpu.memory_space<vmem>>
    %dma_wait3A_137 = tpu.memref_squeeze %dma_wait3A_136 : memref<1x1x200x64xf32, #tpu.memory_space<vmem>> -> memref<200x64xf32, #tpu.memory_space<vmem>>
    %dma_wait3A_138 = arith.constant 0 : i32
    %dma_wait3A_139 = tpu.memref_slice %arg5[%dma_wait3A_130, %dma_wait3A_138] : memref<128x200xi32, #tpu.memory_space<vmem>> -> memref<1x200xi32, #tpu.memory_space<vmem>>
    %dma_wait3A_140 = tpu.memref_squeeze %dma_wait3A_139 : memref<1x200xi32, #tpu.memory_space<vmem>> -> memref<200xi32, #tpu.memory_space<vmem>>
    %dma_wait3A_141 = arith.constant 0 : i32
    %dma_wait3A_142 = arith.constant 0 : i32
    %dma_wait3A_143 = tpu.memref_slice %arg3[%dma_wait3A_141, %dma_wait3A_142] : memref<1000000x64xf32, #tpu.memory_space<hbm>> -> memref<1000000x64xf32, #tpu.memory_space<hbm>>
    %dma_wait3A_144 = tpu.memref_slice %arg7[%dma_wait3A_133] : memref<4x!tpu.dma_semaphore, #tpu.memory_space<semaphore_mem>> -> memref<1x!tpu.dma_semaphore, #tpu.memory_space<semaphore_mem>>
    %dma_wait3A_145 = tpu.memref_squeeze %dma_wait3A_144 : memref<1x!tpu.dma_semaphore, #tpu.memory_space<semaphore_mem>> -> memref<!tpu.dma_semaphore, #tpu.memory_space<semaphore_mem>>
    tpu.wait_indirect_dma semaphore(%dma_wait3A_145 : memref<!tpu.dma_semaphore, #tpu.memory_space<semaphore_mem>>) src(%dma_wait3A_143 : memref<1000000x64xf32, #tpu.memory_space<hbm>>) dst(%dma_wait3A_137 : memref<200x64xf32, #tpu.memory_space<vmem>>)
    %add3A_146 = arith.constant 125 : i32
    %add3A_147 = arith.addi %mul3A_2, %add3A_146 : i32
    %dma_start3A_148 = arith.constant 1 : i32
    %dma_start3A_149 = arith.constant 1 : i32
    %dma_start3A_150 = arith.constant 0 : i32
    %dma_start3A_151 = arith.constant 0 : i32
    %dma_start3A_152 = arith.constant 0 : i32
    %dma_start3A_153 = tpu.memref_slice %arg6[%dma_start3A_148, %dma_start3A_150, %dma_start3A_151, %dma_start3A_152] : memref<4x1x200x64xf32, #tpu.memory_space<vmem>> -> memref<1x1x200x64xf32, #tpu.memory_space<vmem>>
    %dma_start3A_154 = tpu.memref_squeeze %dma_start3A_153 : memref<1x1x200x64xf32, #tpu.memory_space<vmem>> -> memref<1x200x64xf32, #tpu.memory_space<vmem>>
    %dma_start3A_155 = arith.constant 0 : i32
    %dma_start3A_156 = arith.constant 0 : i32
    %dma_start3A_157 = tpu.memref_slice %arg4[%add3A_147, %dma_start3A_155, %dma_start3A_156] : memref<4096x200x64xf32, #tpu.memory_space<hbm>> -> memref<1x200x64xf32, #tpu.memory_space<hbm>>
    %dma_start3A_158 = tpu.memref_slice %arg8[%dma_start3A_149] : memref<4x!tpu.dma_semaphore, #tpu.memory_space<semaphore_mem>> -> memref<1x!tpu.dma_semaphore, #tpu.memory_space<semaphore_mem>>
    %dma_start3A_159 = tpu.memref_squeeze %dma_start3A_158 : memref<1x!tpu.dma_semaphore, #tpu.memory_space<semaphore_mem>> -> memref<!tpu.dma_semaphore, #tpu.memory_space<semaphore_mem>>
    %dma_start3A_160 = arith.constant 0 : i32
    %dma_start3A_161 = arith.constant 0 : i32
    %dma_start3A_162 = tpu.memref_slice %arg4[%add3A_147, %dma_start3A_160, %dma_start3A_161] : memref<4096x200x64xf32, #tpu.memory_space<hbm>> -> memref<1x200x64xf32, #tpu.memory_space<hbm>>
    %dma_start3A_163 = arith.constant 0 : i32
    %dma_start3A_164 = arith.constant 0 : i32
    %dma_start3A_165 = arith.constant 0 : i32
    %dma_start3A_166 = tpu.memref_slice %arg6[%dma_start3A_148, %dma_start3A_163, %dma_start3A_164, %dma_start3A_165] : memref<4x1x200x64xf32, #tpu.memory_space<vmem>> -> memref<1x1x200x64xf32, #tpu.memory_space<vmem>>
    %dma_start3A_167 = tpu.memref_squeeze %dma_start3A_166 : memref<1x1x200x64xf32, #tpu.memory_space<vmem>> -> memref<1x200x64xf32, #tpu.memory_space<vmem>>
    tpu.enqueue_dma source(%dma_start3A_167 : memref<1x200x64xf32, #tpu.memory_space<vmem>>) target(%dma_start3A_162 : memref<1x200x64xf32, #tpu.memory_space<hbm>>) target_semaphore(%dma_start3A_159 : memref<!tpu.dma_semaphore, #tpu.memory_space<semaphore_mem>>)
    %add3A_168 = arith.constant 125 : i32
    %add3A_169 = arith.addi %mul3A_2, %add3A_168 : i32
    %dma_wait3A_170 = arith.constant 1 : i32
    %dma_wait3A_171 = arith.constant 1 : i32
    %dma_wait3A_172 = arith.constant 0 : i32
    %dma_wait3A_173 = arith.constant 0 : i32
    %dma_wait3A_174 = arith.constant 0 : i32
    %dma_wait3A_175 = tpu.memref_slice %arg6[%dma_wait3A_170, %dma_wait3A_172, %dma_wait3A_173, %dma_wait3A_174] : memref<4x1x200x64xf32, #tpu.memory_space<vmem>> -> memref<1x1x200x64xf32, #tpu.memory_space<vmem>>
    %dma_wait3A_176 = tpu.memref_squeeze %dma_wait3A_175 : memref<1x1x200x64xf32, #tpu.memory_space<vmem>> -> memref<1x200x64xf32, #tpu.memory_space<vmem>>
    %dma_wait3A_177 = arith.constant 0 : i32
    %dma_wait3A_178 = arith.constant 0 : i32
    %dma_wait3A_179 = tpu.memref_slice %arg4[%add3A_169, %dma_wait3A_177, %dma_wait3A_178] : memref<4096x200x64xf32, #tpu.memory_space<hbm>> -> memref<1x200x64xf32, #tpu.memory_space<hbm>>
    %dma_wait3A_180 = tpu.memref_slice %arg8[%dma_wait3A_171] : memref<4x!tpu.dma_semaphore, #tpu.memory_space<semaphore_mem>> -> memref<1x!tpu.dma_semaphore, #tpu.memory_space<semaphore_mem>>
    %dma_wait3A_181 = tpu.memref_squeeze %dma_wait3A_180 : memref<1x!tpu.dma_semaphore, #tpu.memory_space<semaphore_mem>> -> memref<!tpu.dma_semaphore, #tpu.memory_space<semaphore_mem>>
    %dma_wait3A_182 = arith.constant 0 : i32
    %dma_wait3A_183 = arith.constant 0 : i32
    %dma_wait3A_184 = tpu.memref_slice %arg4[%add3A_169, %dma_wait3A_182, %dma_wait3A_183] : memref<4096x200x64xf32, #tpu.memory_space<hbm>> -> memref<1x200x64xf32, #tpu.memory_space<hbm>>
    %dma_wait3A_185 = arith.constant 0 : i32
    %dma_wait3A_186 = arith.constant 0 : i32
    %dma_wait3A_187 = arith.constant 0 : i32
    %dma_wait3A_188 = tpu.memref_slice %arg6[%dma_wait3A_170, %dma_wait3A_185, %dma_wait3A_186, %dma_wait3A_187] : memref<4x1x200x64xf32, #tpu.memory_space<vmem>> -> memref<1x1x200x64xf32, #tpu.memory_space<vmem>>
    %dma_wait3A_189 = tpu.memref_squeeze %dma_wait3A_188 : memref<1x1x200x64xf32, #tpu.memory_space<vmem>> -> memref<1x200x64xf32, #tpu.memory_space<vmem>>
    tpu.wait_dma2 semaphore(%dma_wait3A_181 : memref<!tpu.dma_semaphore, #tpu.memory_space<semaphore_mem>>) src(%dma_wait3A_189 : memref<1x200x64xf32, #tpu.memory_space<vmem>>) dst(%dma_wait3A_184 : memref<1x200x64xf32, #tpu.memory_space<hbm>>)
    %dma_wait3A_190 = arith.constant 126 : i32
    %dma_wait3A_191 = arith.constant 2 : i32
    %dma_wait3A_192 = arith.constant 0 : i32
    %dma_wait3A_193 = arith.constant 2 : i32
    %dma_wait3A_194 = arith.constant 0 : i32
    %dma_wait3A_195 = arith.constant 0 : i32
    %dma_wait3A_196 = tpu.memref_slice %arg6[%dma_wait3A_191, %dma_wait3A_192, %dma_wait3A_194, %dma_wait3A_195] : memref<4x1x200x64xf32, #tpu.memory_space<vmem>> -> memref<1x1x200x64xf32, #tpu.memory_space<vmem>>
    %dma_wait3A_197 = tpu.memref_squeeze %dma_wait3A_196 : memref<1x1x200x64xf32, #tpu.memory_space<vmem>> -> memref<200x64xf32, #tpu.memory_space<vmem>>
    %dma_wait3A_198 = arith.constant 0 : i32
    %dma_wait3A_199 = tpu.memref_slice %arg5[%dma_wait3A_190, %dma_wait3A_198] : memref<128x200xi32, #tpu.memory_space<vmem>> -> memref<1x200xi32, #tpu.memory_space<vmem>>
    %dma_wait3A_200 = tpu.memref_squeeze %dma_wait3A_199 : memref<1x200xi32, #tpu.memory_space<vmem>> -> memref<200xi32, #tpu.memory_space<vmem>>
    %dma_wait3A_201 = arith.constant 0 : i32
    %dma_wait3A_202 = arith.constant 0 : i32
    %dma_wait3A_203 = tpu.memref_slice %arg3[%dma_wait3A_201, %dma_wait3A_202] : memref<1000000x64xf32, #tpu.memory_space<hbm>> -> memref<1000000x64xf32, #tpu.memory_space<hbm>>
    %dma_wait3A_204 = tpu.memref_slice %arg7[%dma_wait3A_193] : memref<4x!tpu.dma_semaphore, #tpu.memory_space<semaphore_mem>> -> memref<1x!tpu.dma_semaphore, #tpu.memory_space<semaphore_mem>>
    %dma_wait3A_205 = tpu.memref_squeeze %dma_wait3A_204 : memref<1x!tpu.dma_semaphore, #tpu.memory_space<semaphore_mem>> -> memref<!tpu.dma_semaphore, #tpu.memory_space<semaphore_mem>>
    tpu.wait_indirect_dma semaphore(%dma_wait3A_205 : memref<!tpu.dma_semaphore, #tpu.memory_space<semaphore_mem>>) src(%dma_wait3A_203 : memref<1000000x64xf32, #tpu.memory_space<hbm>>) dst(%dma_wait3A_197 : memref<200x64xf32, #tpu.memory_space<vmem>>)
    %add3A_206 = arith.constant 126 : i32
    %add3A_207 = arith.addi %mul3A_2, %add3A_206 : i32
    %dma_start3A_208 = arith.constant 2 : i32
    %dma_start3A_209 = arith.constant 2 : i32
    %dma_start3A_210 = arith.constant 0 : i32
    %dma_start3A_211 = arith.constant 0 : i32
    %dma_start3A_212 = arith.constant 0 : i32
    %dma_start3A_213 = tpu.memref_slice %arg6[%dma_start3A_208, %dma_start3A_210, %dma_start3A_211, %dma_start3A_212] : memref<4x1x200x64xf32, #tpu.memory_space<vmem>> -> memref<1x1x200x64xf32, #tpu.memory_space<vmem>>
    %dma_start3A_214 = tpu.memref_squeeze %dma_start3A_213 : memref<1x1x200x64xf32, #tpu.memory_space<vmem>> -> memref<1x200x64xf32, #tpu.memory_space<vmem>>
    %dma_start3A_215 = arith.constant 0 : i32
    %dma_start3A_216 = arith.constant 0 : i32
    %dma_start3A_217 = tpu.memref_slice %arg4[%add3A_207, %dma_start3A_215, %dma_start3A_216] : memref<4096x200x64xf32, #tpu.memory_space<hbm>> -> memref<1x200x64xf32, #tpu.memory_space<hbm>>
    %dma_start3A_218 = tpu.memref_slice %arg8[%dma_start3A_209] : memref<4x!tpu.dma_semaphore, #tpu.memory_space<semaphore_mem>> -> memref<1x!tpu.dma_semaphore, #tpu.memory_space<semaphore_mem>>
    %dma_start3A_219 = tpu.memref_squeeze %dma_start3A_218 : memref<1x!tpu.dma_semaphore, #tpu.memory_space<semaphore_mem>> -> memref<!tpu.dma_semaphore, #tpu.memory_space<semaphore_mem>>
    %dma_start3A_220 = arith.constant 0 : i32
    %dma_start3A_221 = arith.constant 0 : i32
    %dma_start3A_222 = tpu.memref_slice %arg4[%add3A_207, %dma_start3A_220, %dma_start3A_221] : memref<4096x200x64xf32, #tpu.memory_space<hbm>> -> memref<1x200x64xf32, #tpu.memory_space<hbm>>
    %dma_start3A_223 = arith.constant 0 : i32
    %dma_start3A_224 = arith.constant 0 : i32
    %dma_start3A_225 = arith.constant 0 : i32
    %dma_start3A_226 = tpu.memref_slice %arg6[%dma_start3A_208, %dma_start3A_223, %dma_start3A_224, %dma_start3A_225] : memref<4x1x200x64xf32, #tpu.memory_space<vmem>> -> memref<1x1x200x64xf32, #tpu.memory_space<vmem>>
    %dma_start3A_227 = tpu.memref_squeeze %dma_start3A_226 : memref<1x1x200x64xf32, #tpu.memory_space<vmem>> -> memref<1x200x64xf32, #tpu.memory_space<vmem>>
    tpu.enqueue_dma source(%dma_start3A_227 : memref<1x200x64xf32, #tpu.memory_space<vmem>>) target(%dma_start3A_222 : memref<1x200x64xf32, #tpu.memory_space<hbm>>) target_semaphore(%dma_start3A_219 : memref<!tpu.dma_semaphore, #tpu.memory_space<semaphore_mem>>)
    %add3A_228 = arith.constant 126 : i32
    %add3A_229 = arith.addi %mul3A_2, %add3A_228 : i32
    %dma_wait3A_230 = arith.constant 2 : i32
    %dma_wait3A_231 = arith.constant 2 : i32
    %dma_wait3A_232 = arith.constant 0 : i32
    %dma_wait3A_233 = arith.constant 0 : i32
    %dma_wait3A_234 = arith.constant 0 : i32
    %dma_wait3A_235 = tpu.memref_slice %arg6[%dma_wait3A_230, %dma_wait3A_232, %dma_wait3A_233, %dma_wait3A_234] : memref<4x1x200x64xf32, #tpu.memory_space<vmem>> -> memref<1x1x200x64xf32, #tpu.memory_space<vmem>>
    %dma_wait3A_236 = tpu.memref_squeeze %dma_wait3A_235 : memref<1x1x200x64xf32, #tpu.memory_space<vmem>> -> memref<1x200x64xf32, #tpu.memory_space<vmem>>
    %dma_wait3A_237 = arith.constant 0 : i32
    %dma_wait3A_238 = arith.constant 0 : i32
    %dma_wait3A_239 = tpu.memref_slice %arg4[%add3A_229, %dma_wait3A_237, %dma_wait3A_238] : memref<4096x200x64xf32, #tpu.memory_space<hbm>> -> memref<1x200x64xf32, #tpu.memory_space<hbm>>
    %dma_wait3A_240 = tpu.memref_slice %arg8[%dma_wait3A_231] : memref<4x!tpu.dma_semaphore, #tpu.memory_space<semaphore_mem>> -> memref<1x!tpu.dma_semaphore, #tpu.memory_space<semaphore_mem>>
    %dma_wait3A_241 = tpu.memref_squeeze %dma_wait3A_240 : memref<1x!tpu.dma_semaphore, #tpu.memory_space<semaphore_mem>> -> memref<!tpu.dma_semaphore, #tpu.memory_space<semaphore_mem>>
    %dma_wait3A_242 = arith.constant 0 : i32
    %dma_wait3A_243 = arith.constant 0 : i32
    %dma_wait3A_244 = tpu.memref_slice %arg4[%add3A_229, %dma_wait3A_242, %dma_wait3A_243] : memref<4096x200x64xf32, #tpu.memory_space<hbm>> -> memref<1x200x64xf32, #tpu.memory_space<hbm>>
    %dma_wait3A_245 = arith.constant 0 : i32
    %dma_wait3A_246 = arith.constant 0 : i32
    %dma_wait3A_247 = arith.constant 0 : i32
    %dma_wait3A_248 = tpu.memref_slice %arg6[%dma_wait3A_230, %dma_wait3A_245, %dma_wait3A_246, %dma_wait3A_247] : memref<4x1x200x64xf32, #tpu.memory_space<vmem>> -> memref<1x1x200x64xf32, #tpu.memory_space<vmem>>
    %dma_wait3A_249 = tpu.memref_squeeze %dma_wait3A_248 : memref<1x1x200x64xf32, #tpu.memory_space<vmem>> -> memref<1x200x64xf32, #tpu.memory_space<vmem>>
    tpu.wait_dma2 semaphore(%dma_wait3A_241 : memref<!tpu.dma_semaphore, #tpu.memory_space<semaphore_mem>>) src(%dma_wait3A_249 : memref<1x200x64xf32, #tpu.memory_space<vmem>>) dst(%dma_wait3A_244 : memref<1x200x64xf32, #tpu.memory_space<hbm>>)
    %dma_wait3A_250 = arith.constant 127 : i32
    %dma_wait3A_251 = arith.constant 3 : i32
    %dma_wait3A_252 = arith.constant 0 : i32
    %dma_wait3A_253 = arith.constant 3 : i32
    %dma_wait3A_254 = arith.constant 0 : i32
    %dma_wait3A_255 = arith.constant 0 : i32
    %dma_wait3A_256 = tpu.memref_slice %arg6[%dma_wait3A_251, %dma_wait3A_252, %dma_wait3A_254, %dma_wait3A_255] : memref<4x1x200x64xf32, #tpu.memory_space<vmem>> -> memref<1x1x200x64xf32, #tpu.memory_space<vmem>>
    %dma_wait3A_257 = tpu.memref_squeeze %dma_wait3A_256 : memref<1x1x200x64xf32, #tpu.memory_space<vmem>> -> memref<200x64xf32, #tpu.memory_space<vmem>>
    %dma_wait3A_258 = arith.constant 0 : i32
    %dma_wait3A_259 = tpu.memref_slice %arg5[%dma_wait3A_250, %dma_wait3A_258] : memref<128x200xi32, #tpu.memory_space<vmem>> -> memref<1x200xi32, #tpu.memory_space<vmem>>
    %dma_wait3A_260 = tpu.memref_squeeze %dma_wait3A_259 : memref<1x200xi32, #tpu.memory_space<vmem>> -> memref<200xi32, #tpu.memory_space<vmem>>
    %dma_wait3A_261 = arith.constant 0 : i32
    %dma_wait3A_262 = arith.constant 0 : i32
    %dma_wait3A_263 = tpu.memref_slice %arg3[%dma_wait3A_261, %dma_wait3A_262] : memref<1000000x64xf32, #tpu.memory_space<hbm>> -> memref<1000000x64xf32, #tpu.memory_space<hbm>>
    %dma_wait3A_264 = tpu.memref_slice %arg7[%dma_wait3A_253] : memref<4x!tpu.dma_semaphore, #tpu.memory_space<semaphore_mem>> -> memref<1x!tpu.dma_semaphore, #tpu.memory_space<semaphore_mem>>
    %dma_wait3A_265 = tpu.memref_squeeze %dma_wait3A_264 : memref<1x!tpu.dma_semaphore, #tpu.memory_space<semaphore_mem>> -> memref<!tpu.dma_semaphore, #tpu.memory_space<semaphore_mem>>
    tpu.wait_indirect_dma semaphore(%dma_wait3A_265 : memref<!tpu.dma_semaphore, #tpu.memory_space<semaphore_mem>>) src(%dma_wait3A_263 : memref<1000000x64xf32, #tpu.memory_space<hbm>>) dst(%dma_wait3A_257 : memref<200x64xf32, #tpu.memory_space<vmem>>)
    %add3A_266 = arith.constant 127 : i32
    %add3A_267 = arith.addi %mul3A_2, %add3A_266 : i32
    %dma_start3A_268 = arith.constant 3 : i32
    %dma_start3A_269 = arith.constant 3 : i32
    %dma_start3A_270 = arith.constant 0 : i32
    %dma_start3A_271 = arith.constant 0 : i32
    %dma_start3A_272 = arith.constant 0 : i32
    %dma_start3A_273 = tpu.memref_slice %arg6[%dma_start3A_268, %dma_start3A_270, %dma_start3A_271, %dma_start3A_272] : memref<4x1x200x64xf32, #tpu.memory_space<vmem>> -> memref<1x1x200x64xf32, #tpu.memory_space<vmem>>
    %dma_start3A_274 = tpu.memref_squeeze %dma_start3A_273 : memref<1x1x200x64xf32, #tpu.memory_space<vmem>> -> memref<1x200x64xf32, #tpu.memory_space<vmem>>
    %dma_start3A_275 = arith.constant 0 : i32
    %dma_start3A_276 = arith.constant 0 : i32
    %dma_start3A_277 = tpu.memref_slice %arg4[%add3A_267, %dma_start3A_275, %dma_start3A_276] : memref<4096x200x64xf32, #tpu.memory_space<hbm>> -> memref<1x200x64xf32, #tpu.memory_space<hbm>>
    %dma_start3A_278 = tpu.memref_slice %arg8[%dma_start3A_269] : memref<4x!tpu.dma_semaphore, #tpu.memory_space<semaphore_mem>> -> memref<1x!tpu.dma_semaphore, #tpu.memory_space<semaphore_mem>>
    %dma_start3A_279 = tpu.memref_squeeze %dma_start3A_278 : memref<1x!tpu.dma_semaphore, #tpu.memory_space<semaphore_mem>> -> memref<!tpu.dma_semaphore, #tpu.memory_space<semaphore_mem>>
    %dma_start3A_280 = arith.constant 0 : i32
    %dma_start3A_281 = arith.constant 0 : i32
    %dma_start3A_282 = tpu.memref_slice %arg4[%add3A_267, %dma_start3A_280, %dma_start3A_281] : memref<4096x200x64xf32, #tpu.memory_space<hbm>> -> memref<1x200x64xf32, #tpu.memory_space<hbm>>
    %dma_start3A_283 = arith.constant 0 : i32
    %dma_start3A_284 = arith.constant 0 : i32
    %dma_start3A_285 = arith.constant 0 : i32
    %dma_start3A_286 = tpu.memref_slice %arg6[%dma_start3A_268, %dma_start3A_283, %dma_start3A_284, %dma_start3A_285] : memref<4x1x200x64xf32, #tpu.memory_space<vmem>> -> memref<1x1x200x64xf32, #tpu.memory_space<vmem>>
    %dma_start3A_287 = tpu.memref_squeeze %dma_start3A_286 : memref<1x1x200x64xf32, #tpu.memory_space<vmem>> -> memref<1x200x64xf32, #tpu.memory_space<vmem>>
    tpu.enqueue_dma source(%dma_start3A_287 : memref<1x200x64xf32, #tpu.memory_space<vmem>>) target(%dma_start3A_282 : memref<1x200x64xf32, #tpu.memory_space<hbm>>) target_semaphore(%dma_start3A_279 : memref<!tpu.dma_semaphore, #tpu.memory_space<semaphore_mem>>)
    %add3A_288 = arith.constant 127 : i32
    %add3A_289 = arith.addi %mul3A_2, %add3A_288 : i32
    %dma_wait3A_290 = arith.constant 3 : i32
    %dma_wait3A_291 = arith.constant 3 : i32
    %dma_wait3A_292 = arith.constant 0 : i32
    %dma_wait3A_293 = arith.constant 0 : i32
    %dma_wait3A_294 = arith.constant 0 : i32
    %dma_wait3A_295 = tpu.memref_slice %arg6[%dma_wait3A_290, %dma_wait3A_292, %dma_wait3A_293, %dma_wait3A_294] : memref<4x1x200x64xf32, #tpu.memory_space<vmem>> -> memref<1x1x200x64xf32, #tpu.memory_space<vmem>>
    %dma_wait3A_296 = tpu.memref_squeeze %dma_wait3A_295 : memref<1x1x200x64xf32, #tpu.memory_space<vmem>> -> memref<1x200x64xf32, #tpu.memory_space<vmem>>
    %dma_wait3A_297 = arith.constant 0 : i32
    %dma_wait3A_298 = arith.constant 0 : i32
    %dma_wait3A_299 = tpu.memref_slice %arg4[%add3A_289, %dma_wait3A_297, %dma_wait3A_298] : memref<4096x200x64xf32, #tpu.memory_space<hbm>> -> memref<1x200x64xf32, #tpu.memory_space<hbm>>
    %dma_wait3A_300 = tpu.memref_slice %arg8[%dma_wait3A_291] : memref<4x!tpu.dma_semaphore, #tpu.memory_space<semaphore_mem>> -> memref<1x!tpu.dma_semaphore, #tpu.memory_space<semaphore_mem>>
    %dma_wait3A_301 = tpu.memref_squeeze %dma_wait3A_300 : memref<1x!tpu.dma_semaphore, #tpu.memory_space<semaphore_mem>> -> memref<!tpu.dma_semaphore, #tpu.memory_space<semaphore_mem>>
    %dma_wait3A_302 = arith.constant 0 : i32
    %dma_wait3A_303 = arith.constant 0 : i32
    %dma_wait3A_304 = tpu.memref_slice %arg4[%add3A_289, %dma_wait3A_302, %dma_wait3A_303] : memref<4096x200x64xf32, #tpu.memory_space<hbm>> -> memref<1x200x64xf32, #tpu.memory_space<hbm>>
    %dma_wait3A_305 = arith.constant 0 : i32
    %dma_wait3A_306 = arith.constant 0 : i32
    %dma_wait3A_307 = arith.constant 0 : i32
    %dma_wait3A_308 = tpu.memref_slice %arg6[%dma_wait3A_290, %dma_wait3A_305, %dma_wait3A_306, %dma_wait3A_307] : memref<4x1x200x64xf32, #tpu.memory_space<vmem>> -> memref<1x1x200x64xf32, #tpu.memory_space<vmem>>
    %dma_wait3A_309 = tpu.memref_squeeze %dma_wait3A_308 : memref<1x1x200x64xf32, #tpu.memory_space<vmem>> -> memref<1x200x64xf32, #tpu.memory_space<vmem>>
    tpu.wait_dma2 semaphore(%dma_wait3A_301 : memref<!tpu.dma_semaphore, #tpu.memory_space<semaphore_mem>>) src(%dma_wait3A_309 : memref<1x200x64xf32, #tpu.memory_space<vmem>>) dst(%dma_wait3A_304 : memref<1x200x64xf32, #tpu.memory_space<hbm>>)
    return
  }
}

</mosaic_0001>

<sc_bundles>
// kernel: kernel.3.cloned.1.call-start
scs
__scs_entry_jumppad:
0x0: {  	(pc) =	sbr.rel $0x88, $3  }
0x1: {  	(tag) =	ssettag $0x0;
	lr =	simm.s32 $0x1  }
0x2: {  	[smem:$0x3F9F] =	sst lr;
	_ =	strace $0xD0000000  }
0x3: {  	_ = 	snop  }
0x4: {  	_ = 	snop  }
0x5: {  	_ = 	snop  }
0x6: {  	_ = 	snop  }
0x7: {  	_ = 	snop  }
__scs_overlays_trampoline_lowered:
0x8: {  	[smem:$0x3FAE] =	sst s0  }
0x9: {  	[smem:$0x3FAF] =	sst s1  }
0xa: {  	[smem:$0x3FB0] =	sst s2  }
0xb: {  	[smem:$0x3FB1] =	sst s3  }
0xc: {  	[smem:$0x3FB2] =	sst s4  }
0xd: {  	[smem:$0x3FB3] =	sst s5  }
0xe: {  	[smem:$0x3FB4] =	sst s6  }
0xf: {  	[smem:$0x3FB5] =	sst s7  }
0x10: {  	[smem:$0x3FB6] =	sst s8  }
0x11: {  	[smem:$0x3FB7] =	sst s9;
	s0 =	simm.s32 @!p0 $0x0  }
0x12: {  	s1 =	sld [smem:$0x3F9D];
	s0 =	simm.s32 @p0 $0x1  }
0x13: {  	[smem:$0x3FB8] =	sst s0;
	s0 =	simm.s32 @!p1 $0x0  }
0x14: {  	s2 =	sld [smem:$0x3F9C];
	s0 =	simm.s32 @p1 $0x1  }
0x15: {  	[smem:$0x3FB9] =	sst s0;
	s0 =	simm.s32 @!p2 $0x0  }
0x16: {  	s3 =	sld [smem:$0x3FDB];
	s0 =	simm.s32 @p2 $0x1  }
0x17: {  	s4 =	simm.s32 $0x1BF5;
	[smem:$0x3FBB] =	sst s0  }
0x18: {  	s0 =	sld [smem:$0x3F9E];
	_ =	swait.ge [sflag:s4], $0x0  }
0x19: {  	s7 =	sld [smem:$0x3F9F]  }
0x1a: {  	s8 =	sadd.s32 $0xFFFFE003, lr  }
0x1b: {  	s9 =	sadd.s32 $0xFFFFFEF7, lr;
	s5 =	simm.s32 $0xFFFFFFFF;
	p2 =	slt.u32 s8, $0xFFFFF086  }
0x1c: {  	p1 =	slt.u32 s9, $0xF7A;
	s5 =	simm.s32 @!p2 $0x0  }
0x1d: {  	s5 =	simm.s32 @p1 $0x1;
	p0 =	seq.s32 s7, s2  }
0x1e: {  	s7 =	smul.u32 @!p0 $0xF7A, s2;
	p2 =	seq.s32 @!p0 s5, $0x0  }
0x1f: {  	s9 =	smul.u32 $0xF7A, s1;
	s8 =	simm.s32 @!p0 $0x1BF5;
	p2 =	por !p2, p0  }
0x20: {  	[sflag:s8] =	ssyncset.s32 @!p0 $0xFFFFF086;
	s6 =	sadd.s32 @!p0 s3, s7;
	s7 =	simm.s32 @!p0 $0x108  }
0x21: {  	s3 =	sadd.s32 s3, s9;
	s6 =	sadd.s32 @!p0 $0x88, s6;
	s7 =	simm.s32 @p2 $0x1082  }
0x22: {  	[simem:s7], [sflag:s8] =	dma.local @!p0 [hbm:s6], $0xF7A  }
0x23: {  	s9 =	sor.u32 $0xD0000000, s2;
	s6 =	simm.s32 $0x108;
	_ =	swait.ge @!p0 [sflag:s8], $0x0  }
0x24: {  	s3 =	sadd.s32 $0x88, s3;
	s6 =	simm.s32 @!p1 $0x1082;
	[sflag:s4] =	ssyncset.s32 $0xFFFFF086  }
0x25: {  	[simem:s6], [sflag:s4] =	dma.local [hbm:s3], $0xF7A  }
0x26: {  	[smem:$0x3F9F] =	sst s1;
	(tag) =	ssettag s2;
	_ =	strace s9  }
0x27: {  	s1 =	sld [smem:$0x3FAF]  }
0x28: {  	s2 =	sld [smem:$0x3FB0]  }
0x29: {  	s4 =	sld [smem:$0x3FB2]  }
0x2a: {  	p0 =	seq.s32 s5, $0x0;
	s5 =	sld [smem:$0x3FB3]  }
0x2b: {  	s6 =	sld [smem:$0x3FB4]  }
0x2c: {  	s7 =	sld [smem:$0x3FB5]  }
0x2d: {  	s3 =	simm.s32 $0x108;
	s8 =	sld [smem:$0x3FB6]  }
0x2e: {  	s3 =	simm.s32 @!p0 $0x1082;
	s9 =	sld [smem:$0x3FB7]  }
0x2f: {  	lr =	sadd.s32 s0, s3;
	s0 =	sld [smem:$0x3FAE]  }
0x30: {  	s3 =	sld [smem:$0x3FB1]  }
0x31: {  	[smem:$0x3FBA] =	sst s10  }
0x32: {  	s10 =	sld [smem:$0x3FB8];
	_ =	sdelay $0x3  }
0x33: {  	p0 =	seq.s32 s10, $0x1;
	s10 =	sld [smem:$0x3FBA];
	_ =	sdelay $0x3  }
0x34: {  	[smem:$0x3FBA] =	sst s10  }
0x35: {  	s10 =	sld [smem:$0x3FB9];
	_ =	sdelay $0x3  }
0x36: {  	p1 =	seq.s32 s10, $0x1;
	s10 =	sld [smem:$0x3FBA];
	_ =	sdelay $0x3  }
0x37: {  	[smem:$0x3FBA] =	sst s10  }
0x38: {  	s10 =	sld [smem:$0x3FBB]  }
0x39: {  	_ = 	snop;
	(pc) =	sbr.ind lr, $3  }
0x3a: {  	_ = 	snop  }
0x3b: {  	_ = 	snop  }
0x3c: {  	p2 =	seq.s32 s10, $0x1;
	s10 =	sld [smem:$0x3FBA]  }
0x3d: {  	_ =	shalt  }
0x3e: {  	_ =	shalt  }
0x3f: {  	_ =	shalt  }
0x40: {  	_ =	shalt  }
0x41: {  	_ =	shalt  }
0x42: {  	_ =	shalt  }
0x43: {  	_ =	shalt  }
0x44: {  	_ =	shalt  }
0x45: {  	_ =	shalt  }
0x46: {  	_ =	shalt  }
0x47: {  	_ =	shalt  }
0x48: {  	_ =	shalt  }
0x49: {  	_ =	shalt  }
0x4a: {  	_ =	shalt  }
0x4b: {  	_ =	shalt  }
0x4c: {  	_ =	shalt  }
0x4d: {  	_ =	shalt  }
0x4e: {  	_ =	shalt  }
0x4f: {  	_ =	shalt  }
0x50: {  	_ =	shalt  }
0x51: {  	_ =	shalt  }
0x52: {  	_ =	shalt  }
0x53: {  	_ =	shalt  }
0x54: {  	_ =	shalt  }
0x55: {  	_ =	shalt  }
0x56: {  	_ =	shalt  }
0x57: {  	_ =	shalt  }
0x58: {  	_ =	shalt  }
0x59: {  	_ =	shalt  }
0x5a: {  	_ =	shalt  }
0x5b: {  	_ =	shalt  }
0x5c: {  	_ =	shalt  }
0x5d: {  	_ =	shalt  }
0x5e: {  	_ =	shalt  }
0x5f: {  	_ =	shalt  }
0x60: {  	_ =	shalt  }
0x61: {  	_ =	shalt  }
0x62: {  	_ =	shalt  }
0x63: {  	_ =	shalt  }
0x64: {  	_ =	shalt  }
0x65: {  	_ =	shalt  }
0x66: {  	_ =	shalt  }
0x67: {  	_ =	shalt  }
0x68: {  	_ =	shalt  }
0x69: {  	_ =	shalt  }
0x6a: {  	_ =	shalt  }
0x6b: {  	_ =	shalt  }
0x6c: {  	_ =	shalt  }
0x6d: {  	_ =	shalt  }
0x6e: {  	_ =	shalt  }
0x6f: {  	_ =	shalt  }
0x70: {  	_ =	shalt  }
0x71: {  	_ =	shalt  }
0x72: {  	_ =	shalt  }
0x73: {  	_ =	shalt  }
0x74: {  	_ =	shalt  }
0x75: {  	_ =	shalt  }
0x76: {  	_ =	shalt  }
0x77: {  	_ =	shalt  }
0x78: {  	_ =	shalt  }
0x79: {  	_ =	shalt  }
0x7a: {  	_ =	shalt  }
0x7b: {  	_ =	shalt  }
0x7c: {  	_ =	shalt  }
0x7d: {  	_ =	shalt  }
0x7e: {  	_ =	shalt  }
0x7f: {  	_ =	shalt  }
0x80: {  	_ =	shalt  }
0x81: {  	_ =	shalt  }
0x82: {  	_ =	shalt  }
0x83: {  	_ =	shalt  }
0x84: {  	_ =	shalt  }
0x85: {  	_ =	shalt  }
0x86: {  	_ =	shalt  }
0x87: {  	_ =	shalt  }
.Lfunc_end0:
.L_simem_size_0:
called_computation.1_lowered:
.L_overlay_start_0:
0x88: {  	s2 =	sld [smem:$0x3FD9]  }
0x89: {  	s3 =	sld [smem:$0x3FFE];
	_ =	sdelay $0x1  }
0x8a: {  	s1 =	srdreg.scid  }
0x8b: {  	s0 =	sand.u32 $0x1, s1  }
0x8c: {  	s17 =	sshll.u32 s0, $0xA;
	s2 =	sadd.s32 s3, s2  }
0x8d: {  	s2 =	sadd.s32 s2, s17  }
0x8e: {  	[smem:$0x3FC6] =	sst s2  }
0x8f: {  	_ = 	snop  }
0x90: {  	s2 =	sld [smem:$0x3FD0];
	(tm) =	ssettm $0x1  }
0x91: {  	s18 =	sld [smem:$0x3FFB];
	_ =	sdelay $0x3  }
0x92: {  	_ =	strace s18  }
0x93: {  	s3 =	sld [smem:$0x3FFC];
	_ =	sdelay $0x3  }
0x94: {  	_ =	strace s3  }
0x95: {  	s3 =	sld [smem:$0x3FFD];
	_ =	sdelay $0x3  }
0x96: {  	_ =	strace s3  }
0x97: {  	_ =	strace $0x8FFFFFFF  }
0x98: {  	s19 =	sld [smem:$0x3FDB];
	_ =	sdelay $0x1  }
0x99: {  	s4 =	simm.s32 $_scs_section_size  }
0x9a: {  	s5 =	simm.s32 $_size__tile_overlayer_lowered;
	s6 =	simm.s32 $_tile_overlayer_lowered  }
0x9b: {  	s22 =	simm.s32 $0x1BFF;
	s21 =	sshll.u32 s6, $0x1;
	s3 =	sadd.s32 s4, s19  }
0x9c: {  	s7 =	simm.s32 $0x0;
	s20 =	sshll.u32 s5, $0x1;
	s5 =	sadd.s32 s21, s3  }
0x9d: {  	[timem:s7], [sflag:s22] =	dma.local [hbm:s5], s20  }
0x9e: {  	_ =	swait.ge [sflag:s22], s20  }
0x9f: {  	s4 =	ssub.s32 $0x0, s20;
	[sflag:s22] =	ssyncset.done $0x0  }
0xa0: {  	[sflag:s22] =	ssyncadd.s32 s4;
	_ =	sdelay $0x1  }
0xa1: {  	s23 =	simm.s32 $0x1B8B  }
0xa2: {  	_ =	swait.ge [sflag:s23], $0x1  }
0xa3: {  	[sflag:s23] =	ssyncset.done $0x0  }
0xa4: {  	s25 =	simm.s32 $0x1B8E;
	s24 =	sld [smem:$0x3FFE];
	[sflag:s23] =	ssyncadd.s32 $0xFFFFFFFF  }
0xa5: {  	s26 =	simm.s32 $execute0_lowered;
	[smem:$0x3FD2] =	sst s25  }
0xa6: {  	s5 =	sshll.u32 s26, $0x1;
	_ =	strace $0x80000046;
	[dreg:$0x1] =	wrdreg $0xFFFFFFFF  }
0xa7: {  	s28 =	simm.s32 $_size_execute0_lowered;
	s3 =	sadd.s32 s3, s5;
	[dreg:$0x0] =	wrdreg $0x0  }
0xa8: {  	s5 =	sshll.u32 s28, $0x1;
	[dreg:$0x2] =	wrdreg s3  }
0xa9: {  	[dreg:$0x3] =	wrdreg s5  }
0xaa: {  	[dreg:$0x4] =	wrdreg $0xC0  }
0xab: {  	_ =	task [dreg:s7], $0x5FFFF  }
0xac: {  	[dreg:$0x1] =	wrdreg $0xFFFFFFFF  }
0xad: {  	[dreg:$0x0] =	wrdreg $0x60  }
0xae: {  	[dreg:$0x2] =	wrdreg s24  }
0xaf: {  	[dreg:$0x3] =	wrdreg s2  }
0xb0: {  	[dreg:$0x4] =	wrdreg $0x9  }
0xb1: {  	_ =	task.clear_ibuf [dreg:s7], $0x5FFFF;
	_ =	strace $0x90000046  }
0xb2: {  	s29 =	simm.s32 $0x9;
	_ =	strace $0x80000048  }
0xb3: {  	_ =	swait.ge [sflag:s29], $0x1  }
0xb4: {  	[sflag:s29] =	ssyncadd.s32 $0xFFFFFFFF  }
0xb5: {  	_ =	strace $0x90000048  }
0xb6: {  	_ =	sfence  }
0xb7: {  	s30 =	sld [smem:$0x0];
	_ =	sdelay $0x2  }
0xb8: {  	s31 =	sshll.u32 s1, $0xD;
	s1 =	sshrl.u32 s1, $0x2  }
0xb9: {  	s3 =	sand.u32 $0x4000, s31;
	s1 =	sadd.s32 s1, s30  }
0xba: {  	s0 =	sor.u32 s3, s0;
	s1 =	sshll.u32 s1, $0x11  }
0xbb: {  	s0 =	sor.u32 s1, s0  }
0xbc: {  	s0 =	sadd.s32 $0x8F2B, s0  }
0xbd: {  	[sflag:s0] =	ssyncadd.remote.s32 $0x1  }
0xbe: {  	_ =	sfence.sel $0xFFFF  }
0xbf: {  	[dreg:$0x0] =	wrdreg $0xFFFFFFFF;
	(pc) =	sbr.abs _section_cstart, $3  }
0xc0: {  	[dreg:$0x1] =	wrdreg $0xFFFFFFFF  }
0xc1: {  	_ =	task.clear_ibuf [dreg:s7], $0x2FFFF;
	_ =	strace $0x9FFFFFFF  }
0xc2: {  	(tm) =	ssettm $0x7FFFFFFF  }
0xc3: {  	_ =	shalt  }
tec
execute0_lowered:
.L_overlay_start_1:
0x0: {  	(tag) =	ssettag $0x1  }
0x1: {  	s1 =	srdreg.scid;
	s3 =	rddreg [dreg:$0x0]  }
0x2: {  	s0 =	stileid.u32;
	s10 =	rddreg [dreg:$0x1];
	s14 =	simm.s32 $0x9600  }
0x3: {  	s15 =	simm.s32 $0x190;
	s16 =	simm.s32 $0xC800;
	s17 =	simm.s32 $0x258  }
0x4: {  	s18 =	simm.s32 $0xFA00;
	s19 =	simm.s32 $0x1;
	s20 =	simm.s32 $0x5  }
0x5: {  	s21 =	simm.s32 $0x2;
	s22 =	simm.s32 $0x6;
	s23 =	simm.s32 $0x3  }
0x6: {  	s24 =	simm.s32 $0x7;
	s25 =	simm.s32 $0x4;
	s8 =	sand.u32 $0x1, s1  }
0x7: {  	s26 =	simm.s32 $0x8;
	s31 =	sshll.u32 s0, $0x8;
	s2 =	sshll.u32 s8, $0x7  }
0x8: {  	s28 =	simm.s32 $0x0;
	s12 =	smul.u32 $0x64000, s0;
	s4 =	sor.u32 s2, s31  }
0x9: {  	s6 =	ssub.s32 $0x2, s8;
	s2 =	simm.s32 $0x0;
	s5 =	smul.u32 $0x19, s4  }
0xa: {  	s7 =	sshrl.u32 s6, $0x1;
	[smem:$0x7FF] =	sst s2;
	s4 =	smul.u32 $0x3200, s4  }
0xb: {  	s13 =	smul.u32 $0x32000, s8;
	s9 =	ssub.s32 s6, s7;
	_ =	strace $0x80000047  }
0xc: {  	s9 =	smax.u32 s9, $0x1;
	s5 =	sadd.s32 s5, s3;
	s4 =	sshrl.u32 s4, $0x3  }
0xd: {  	s3 =	sadd.s32 $0xF42E00, s3;
	s11 =	sadd.s32 s10, s4;
	s4 =	sadd.s32 $0xA00, s5  }
0xe: {  	s10 =	sadd.s32 s12, s10;
	s12 =	simm.s32 $0xC8;
	s5 =	sadd.s32 $0x30700, s11  }
0xf: {  	s6 =	sadd.s32 $0x30D40, s11;
	s7 =	sadd.s32 $0x31380, s11;
	s8 =	sadd.s32 $0x319C0, s11  }
0x10: {  	s10 =	sadd.s32 s13, s10;
	s11 =	simm.s32 $0x9;
	s13 =	simm.s32 $0x6400  }
.LBB2_1:
0x11: {  	[tilespmem:s2], [sflag:$0x9] =	stream.linear.gather [hbm4b:s4+s2], $0x6400, $0x38;
	[tilespmem:$0x12C00] =	vst v63  }
0x12: {  	_ =	swait.ge [sflag:s11], $0x6400  }
0x13: {  	[sflag:s11] =	ssyncset.done $0x0  }
0x14: {  	[sflag:s11] =	ssyncadd.s32 $0xFFFF9C00  }
0x15: {  	[tilespmem:s13], [sflag:$0x1] =	stream.indirect.gather [hbm4b:s3+s12], $0x40, s2, s12, $0xb8;
	[tilespmem:$0x12C00] =	vst v63  }
0x16: {  	_ = 	snop  }
0x17: {  	[tilespmem:s14], [sflag:$0x2] =	stream.indirect.gather [hbm4b:s3+s12], $0x40, s12, s12, $0xb8;
	[tilespmem:$0x12C00] =	vst v63  }
0x18: {  	_ = 	snop  }
0x19: {  	[tilespmem:s16], [sflag:$0x3] =	stream.indirect.gather [hbm4b:s3+s12], $0x40, s15, s12, $0xb8;
	[tilespmem:$0x12C00] =	vst v63  }
0x1a: {  	_ = 	snop  }
0x1b: {  	[tilespmem:s18], [sflag:$0x4] =	stream.indirect.gather [hbm4b:s3+s12], $0x40, s17, s12, $0xb8;
	[tilespmem:$0x12C00] =	vst v63  }
0x1c: {  	_ =	swait.ge [sflag:s19], $0x3200  }
0x1d: {  	[sflag:s19] =	ssyncset.done $0x0  }
0x1e: {  	[sflag:s19] =	ssyncadd.s32 $0xFFFFCE00  }
0x1f: {  	[hbm4b:s10+s2] =	stream.linear.scatter [tilespmem:s13], [sflag:$0x5], $0x3200, $0x38;
	[tilespmem:$0x12C00] =	vst v63  }
0x20: {  	_ =	swait.ge [sflag:s20], $0x3200  }
0x21: {  	[sflag:s20] =	ssyncset.done $0x0  }
0x22: {  	s29 =	simm.s32 $0x320;
	[sflag:s20] =	ssyncadd.s32 $0xFFFFCE00  }
0x23: {  	[tilespmem:s13], [sflag:$0x1] =	stream.indirect.gather [hbm4b:s3+s12], $0x40, s29, s12, $0xb8;
	[tilespmem:$0x12C00] =	vst v63  }
0x24: {  	_ =	swait.ge [sflag:s21], $0x3200  }
0x25: {  	[sflag:s21] =	ssyncset.done $0x0  }
0x26: {  	s29 =	sadd.s32 $0x640, s10;
	[sflag:s21] =	ssyncadd.s32 $0xFFFFCE00  }
0x27: {  	[hbm4b:s29+s2] =	stream.linear.scatter [tilespmem:s14], [sflag:$0x6], $0x3200, $0x38;
	[tilespmem:$0x12C00] =	vst v63  }
0x28: {  	_ =	swait.ge [sflag:s22], $0x3200  }
0x29: {  	[sflag:s22] =	ssyncset.done $0x0  }
0x2a: {  	s29 =	simm.s32 $0x3E8;
	[sflag:s22] =	ssyncadd.s32 $0xFFFFCE00  }
0x2b: {  	[tilespmem:s14], [sflag:$0x2] =	stream.indirect.gather [hbm4b:s3+s12], $0x40, s29, s12, $0xb8;
	[tilespmem:$0x12C00] =	vst v63  }
0x2c: {  	_ =	swait.ge [sflag:s23], $0x3200  }
0x2d: {  	[sflag:s23] =	ssyncset.done $0x0  }
0x2e: {  	s29 =	sadd.s32 $0xC80, s10;
	[sflag:s23] =	ssyncadd.s32 $0xFFFFCE00  }
0x2f: {  	[hbm4b:s29+s2] =	stream.linear.scatter [tilespmem:s16], [sflag:$0x7], $0x3200, $0x38;
	[tilespmem:$0x12C00] =	vst v63  }
0x30: {  	_ =	swait.ge [sflag:s24], $0x3200  }
0x31: {  	[sflag:s24] =	ssyncset.done $0x0  }
0x32: {  	s29 =	simm.s32 $0x4B0;
	[sflag:s24] =	ssyncadd.s32 $0xFFFFCE00  }
0x33: {  	[tilespmem:s16], [sflag:$0x3] =	stream.indirect.gather [hbm4b:s3+s12], $0x40, s29, s12, $0xb8;
	[tilespmem:$0x12C00] =	vst v63  }
0x34: {  	_ =	swait.ge [sflag:s25], $0x3200  }
0x35: {  	[sflag:s25] =	ssyncset.done $0x0  }
0x36: {  	s29 =	sadd.s32 $0x12C0, s10;
	[sflag:s25] =	ssyncadd.s32 $0xFFFFCE00  }
0x37: {  	[hbm4b:s29+s2] =	stream.linear.scatter [tilespmem:s18], [sflag:$0x8], $0x3200, $0x38;
	[tilespmem:$0x12C00] =	vst v63  }
0x38: {  	_ =	swait.ge [sflag:s26], $0x3200  }
0x39: {  	s31 =	simm.s32 $0x578;
	[sflag:s26] =	ssyncset.done $0x0  }
0x3a: {  	s30 =	sadd.s32 $0x1900, s10;
	s29 =	simm.s32 $0xC80;
	[sflag:s26] =	ssyncadd.s32 $0xFFFFCE00  }
.LBB2_2:
0x3b: {  	[tilespmem:s18], [sflag:$0x4] =	stream.indirect.gather [hbm4b:s3+s12], $0x40, s31, s12, $0xb8;
	[tilespmem:$0x12C00] =	vst v63  }
0x3c: {  	s31 =	smov.u32 s29  }
0x3d: {  	p0 =	sne.s32 s29, $0x17700;
	s29 =	sadd.s32 $0xC80, s29;
	_ =	swait.ge [sflag:s19], $0x3200  }
0x3e: {  	[sflag:s19] =	ssyncset.done $0x0  }
0x3f: {  	[sflag:s19] =	ssyncadd.s32 $0xFFFFCE00  }
0x40: {  	[hbm4b:s30+s2] =	stream.linear.scatter [tilespmem:s13], [sflag:$0x5], $0x3200, $0x38;
	[tilespmem:$0x12C00] =	vst v63  }
0x41: {  	_ =	swait.ge [sflag:s20], $0x3200  }
0x42: {  	s31 =	sshra.s32 s31, $0x2;
	[sflag:s20] =	ssyncset.done $0x0  }
0x43: {  	s1 =	sadd.s32 $0x320, s31;
	[sflag:s20] =	ssyncadd.s32 $0xFFFFCE00  }
0x44: {  	[tilespmem:s13], [sflag:$0x1] =	stream.indirect.gather [hbm4b:s3+s12], $0x40, s1, s12, $0xb8;
	[tilespmem:$0x12C00] =	vst v63  }
0x45: {  	_ =	swait.ge [sflag:s21], $0x3200  }
0x46: {  	[sflag:s21] =	ssyncset.done $0x0  }
0x47: {  	s1 =	sadd.s32 $0x640, s30;
	[sflag:s21] =	ssyncadd.s32 $0xFFFFCE00  }
0x48: {  	[hbm4b:s1+s2] =	stream.linear.scatter [tilespmem:s14], [sflag:$0x6], $0x3200, $0x38;
	[tilespmem:$0x12C00] =	vst v63  }
0x49: {  	_ =	swait.ge [sflag:s22], $0x3200  }
0x4a: {  	[sflag:s22] =	ssyncset.done $0x0  }
0x4b: {  	s1 =	sadd.s32 $0x3E8, s31;
	[sflag:s22] =	ssyncadd.s32 $0xFFFFCE00  }
0x4c: {  	[tilespmem:s14], [sflag:$0x2] =	stream.indirect.gather [hbm4b:s3+s12], $0x40, s1, s12, $0xb8;
	[tilespmem:$0x12C00] =	vst v63  }
0x4d: {  	_ =	swait.ge [sflag:s23], $0x3200  }
0x4e: {  	[sflag:s23] =	ssyncset.done $0x0  }
0x4f: {  	s1 =	sadd.s32 $0xC80, s30;
	[sflag:s23] =	ssyncadd.s32 $0xFFFFCE00  }
0x50: {  	[hbm4b:s1+s2] =	stream.linear.scatter [tilespmem:s16], [sflag:$0x7], $0x3200, $0x38;
	[tilespmem:$0x12C00] =	vst v63  }
0x51: {  	_ =	swait.ge [sflag:s24], $0x3200  }
0x52: {  	[sflag:s24] =	ssyncset.done $0x0  }
0x53: {  	s1 =	sadd.s32 $0x4B0, s31;
	[sflag:s24] =	ssyncadd.s32 $0xFFFFCE00  }
0x54: {  	[tilespmem:s16], [sflag:$0x3] =	stream.indirect.gather [hbm4b:s3+s12], $0x40, s1, s12, $0xb8;
	[tilespmem:$0x12C00] =	vst v63  }
0x55: {  	_ =	swait.ge [sflag:s25], $0x3200  }
0x56: {  	[sflag:s25] =	ssyncset.done $0x0  }
.Ltmp0:
0x57: {  	s1 =	sadd.s32 $0x12C0, s30;
	[sflag:s25] =	ssyncadd.s32 $0xFFFFCE00;
	(pc) =	sbr.rel @p0 .LBB2_2-.Ltmp0, $4  }
0x58: {  	[hbm4b:s1+s2] =	stream.linear.scatter [tilespmem:s18], [sflag:$0x8], $0x3200, $0x38;
	[tilespmem:$0x12C00] =	vst v63  }
0x59: {  	_ =	swait.ge [sflag:s26], $0x3200  }
0x5a: {  	[sflag:s26] =	ssyncset.done $0x0  }
0x5b: {  	s31 =	sadd.s32 $0x578, s31;
	s30 =	sadd.s32 $0x1900, s30;
	[sflag:s26] =	ssyncadd.s32 $0xFFFFCE00  }
0x5c: {  	[tilespmem:s18], [sflag:$0x4] =	stream.indirect.gather [hbm4b:s3+s12], $0x40, s31, s12, $0xb8;
	[tilespmem:$0x12C00] =	vst v63  }
0x5d: {  	_ =	swait.ge [sflag:s19], $0x3200  }
0x5e: {  	[sflag:s19] =	ssyncset.done $0x0  }
0x5f: {  	[sflag:s19] =	ssyncadd.s32 $0xFFFFCE00  }
0x60: {  	[hbm4b:s5+s2] =	stream.linear.scatter [tilespmem:s13], [sflag:$0x5], $0x3200, $0x38;
	[tilespmem:$0x12C00] =	vst v63  }
0x61: {  	_ =	swait.ge [sflag:s20], $0x3200  }
0x62: {  	[sflag:s20] =	ssyncset.done $0x0  }
0x63: {  	[sflag:s20] =	ssyncadd.s32 $0xFFFFCE00  }
0x64: {  	_ =	swait.ge [sflag:s21], $0x3200  }
0x65: {  	[sflag:s21] =	ssyncset.done $0x0  }
0x66: {  	[sflag:s21] =	ssyncadd.s32 $0xFFFFCE00  }
0x67: {  	[hbm4b:s6+s2] =	stream.linear.scatter [tilespmem:s14], [sflag:$0x6], $0x3200, $0x38;
	[tilespmem:$0x12C00] =	vst v63  }
0x68: {  	_ =	swait.ge [sflag:s22], $0x3200  }
0x69: {  	[sflag:s22] =	ssyncset.done $0x0  }
0x6a: {  	[sflag:s22] =	ssyncadd.s32 $0xFFFFCE00  }
0x6b: {  	_ =	swait.ge [sflag:s23], $0x3200  }
0x6c: {  	[sflag:s23] =	ssyncset.done $0x0  }
0x6d: {  	[sflag:s23] =	ssyncadd.s32 $0xFFFFCE00  }
0x6e: {  	[hbm4b:s7+s2] =	stream.linear.scatter [tilespmem:s16], [sflag:$0x7], $0x3200, $0x38;
	[tilespmem:$0x12C00] =	vst v63  }
0x6f: {  	_ =	swait.ge [sflag:s24], $0x3200  }
0x70: {  	[sflag:s24] =	ssyncset.done $0x0  }
0x71: {  	[sflag:s24] =	ssyncadd.s32 $0xFFFFCE00  }
0x72: {  	s28 =	sadd.s32 $0x1, s28;
	_ =	swait.ge [sflag:s25], $0x3200  }
0x73: {  	p0 =	sne.s32 s28, s9;
	[sflag:s25] =	ssyncset.done $0x0  }
.Ltmp1:
0x74: {  	[sflag:s25] =	ssyncadd.s32 $0xFFFFCE00;
	(pc) =	sbr.rel @p0 .LBB2_1-.Ltmp1, $4  }
0x75: {  	[hbm4b:s8+s2] =	stream.linear.scatter [tilespmem:s18], [sflag:$0x8], $0x3200, $0x38;
	[tilespmem:$0x12C00] =	vst v63  }
0x76: {  	_ =	swait.ge [sflag:s26], $0x3200  }
0x77: {  	[sflag:s26] =	ssyncset.done $0x0  }
0x78: {  	[sflag:s26] =	ssyncadd.s32 $0xFFFFCE00  }
0x79: {  	_ =	sfence.sel $0x180000  }
0x7a: {  	[bflag:$0x0] =	sbarrier.arrive $0xFFFF  }
0x7b: {  	_ =	strace $0x90000047  }
0x7c: {  	[bflag:$0x2] =	sbarrier.arrive $0xFFFF  }
0x7d: {  	p0 =	sne.s32 s0, $0x0;
	s0 =	rddreg [dreg:$0x2]  }
0x7e: {  	s0 =	sadd.s32 @!p0 $0x100000, s0  }
0x7f: {  	[sflag:s0] =	ssyncadd.tile.s32 @!p0 $0x1;
	_ =	shalt  }
.Lfunc_end2:
_tile_overlayer_lowered:
.L_overlay_start_2:
0x80: {  	(tag) =	ssettag $0x2  }
0x81: {  	s0 =	rddreg [dreg:$0x0];
	s2 =	stileid.u32  }
0x82: {  	s1 =	rddreg [dreg:$0x1];
	p0 =	sne.s32 s2, $0x0  }
0x83: {  	s3 =	rddreg [dreg:$0x2];
	[bflag:$0x3] =	sbarrier.arrive $0xFFFF;
	s2 =	simm.s32 @!p0 $0x1C09  }
0x84: {  	[timem:s3], [sflag:s2] =	dma.local @!p0 [hbm:s0], s1  }
0x85: {  	s0 =	simm.s32 @!p0 $0x9  }
0x86: {  	_ =	swait.ge @!p0 [sflag:s0], s1  }
0x87: {  	s1 =	ssub.s32 @!p0 $0x0, s1;
	[sflag:s0] =	ssyncset.done @!p0 $0x0  }
0x88: {  	[sflag:s0] =	ssyncadd.s32 @!p0 s1  }
0x89: {  	[bflag:$0x3] =	sbarrier.arrive $0xFFFF  }
0x8a: {  	_ =	shalt  }

// kernel: sparse-core-data-format-call.cloned.1.call-start
scs
called_computation_lowered:
.L_overlay_start_0:
0x0: {  	s2 =	sld [smem:$0x3FD9]  }
0x1: {  	s3 =	sld [smem:$0x3FFE];
	_ =	sdelay $0x1  }
0x2: {  	s1 =	srdreg.scid  }
0x3: {  	s0 =	sand.u32 $0x1, s1  }
0x4: {  	s18 =	sshll.u32 s0, $0xA;
	s2 =	sadd.s32 s3, s2  }
0x5: {  	s2 =	sadd.s32 s2, s18  }
0x6: {  	[smem:$0x3FC6] =	sst s2  }
0x7: {  	_ = 	snop  }
0x8: {  	s2 =	sld [smem:$0x3FD0];
	(tm) =	ssettm $0x1  }
0x9: {  	s19 =	sld [smem:$0x3FFB];
	_ =	sdelay $0x3  }
0xa: {  	_ =	strace s19  }
0xb: {  	s3 =	sld [smem:$0x3FFC];
	_ =	sdelay $0x3  }
0xc: {  	_ =	strace s3  }
0xd: {  	s3 =	sld [smem:$0x3FFD];
	_ =	sdelay $0x3  }
0xe: {  	_ =	strace s3  }
0xf: {  	_ =	strace $0x8FFFFFFF  }
0x10: {  	s20 =	sld [smem:$0x3FDB];
	_ =	sdelay $0x1  }
0x11: {  	s4 =	simm.s32 $_scs_section_size  }
0x12: {  	s5 =	simm.s32 $_size__tile_overlayer_lowered;
	s6 =	simm.s32 $_tile_overlayer_lowered  }
0x13: {  	s23 =	simm.s32 $0x1BFF;
	s22 =	sshll.u32 s6, $0x1;
	s3 =	sadd.s32 s4, s20  }
0x14: {  	s7 =	simm.s32 $0x0;
	s21 =	sshll.u32 s5, $0x1;
	s5 =	sadd.s32 s22, s3  }
0x15: {  	[timem:s7], [sflag:s23] =	dma.local [hbm:s5], s21  }
0x16: {  	_ =	swait.ge [sflag:s23], s21  }
0x17: {  	s4 =	ssub.s32 $0x0, s21;
	[sflag:s23] =	ssyncset.done $0x0  }
0x18: {  	[sflag:s23] =	ssyncadd.s32 s4;
	_ =	sdelay $0x1  }
0x19: {  	s24 =	simm.s32 $0x1B8B  }
0x1a: {  	_ =	swait.ge [sflag:s24], $0x1  }
0x1b: {  	[sflag:s24] =	ssyncset.done $0x0  }
0x1c: {  	s26 =	simm.s32 $0x1B8E;
	s25 =	sld [smem:$0x3FFE];
	[sflag:s24] =	ssyncadd.s32 $0xFFFFFFFF  }
0x1d: {  	s27 =	simm.s32 $execute0_lowered;
	[smem:$0x3FD2] =	sst s26  }
0x1e: {  	s5 =	sshll.u32 s27, $0x1;
	_ =	strace $0x80000049;
	[dreg:$0x1] =	wrdreg $0xFFFFFFFF  }
0x1f: {  	s28 =	simm.s32 $_size_execute0_lowered;
	s3 =	sadd.s32 s3, s5;
	[dreg:$0x0] =	wrdreg $0x0  }
0x20: {  	s5 =	sshll.u32 s28, $0x1;
	[dreg:$0x2] =	wrdreg s3  }
0x21: {  	[dreg:$0x3] =	wrdreg s5  }
0x22: {  	[dreg:$0x4] =	wrdreg $0xC0  }
0x23: {  	_ =	task [dreg:s7], $0x5FFFF  }
0x24: {  	[dreg:$0x1] =	wrdreg $0xFFFFFFFF  }
0x25: {  	[dreg:$0x0] =	wrdreg $0x60  }
0x26: {  	[dreg:$0x2] =	wrdreg s25  }
0x27: {  	[dreg:$0x3] =	wrdreg s2  }
0x28: {  	[dreg:$0x4] =	wrdreg $0x9  }
0x29: {  	_ =	task.clear_ibuf [dreg:s7], $0x5FFFF;
	_ =	strace $0x90000049  }
0x2a: {  	s29 =	simm.s32 $0x9;
	_ =	strace $0x8000004B  }
0x2b: {  	_ =	swait.ge [sflag:s29], $0x1  }
0x2c: {  	[sflag:s29] =	ssyncadd.s32 $0xFFFFFFFF  }
0x2d: {  	_ =	strace $0x9000004B  }
0x2e: {  	_ =	sfence  }
0x2f: {  	s30 =	sld [smem:$0x0];
	_ =	sdelay $0x2  }
0x30: {  	s31 =	sshll.u32 s1, $0xD;
	s1 =	sshrl.u32 s1, $0x2  }
0x31: {  	s3 =	sand.u32 $0x4000, s31;
	s1 =	sadd.s32 s1, s30  }
0x32: {  	s0 =	sor.u32 s3, s0;
	s1 =	sshll.u32 s1, $0x11  }
0x33: {  	s0 =	sor.u32 s1, s0  }
0x34: {  	s0 =	sadd.s32 $0x8F2B, s0  }
0x35: {  	[sflag:s0] =	ssyncadd.remote.s32 $0x1  }
0x36: {  	_ =	sfence.sel $0xFFFF  }
0x37: {  	[dreg:$0x0] =	wrdreg $0xFFFFFFFF;
	(pc) =	sbr.abs _section_cstart, $3  }
0x38: {  	[dreg:$0x1] =	wrdreg $0xFFFFFFFF  }
0x39: {  	_ =	task.clear_ibuf [dreg:s7], $0x2FFFF;
	_ =	strace $0x9FFFFFFF  }
0x3a: {  	(tm) =	ssettm $0x7FFFFFFF  }
0x3b: {  	_ =	shalt  }
tec
execute0_lowered:
.L_overlay_start_1:
0x0: {  	(tag) =	ssettag $0x1  }
0x1: {  	s0 =	srdreg.scid  }
0x2: {  	s1 =	sshll.u32 s0, $0x4  }
0x3: {  	s0 =	stileid.u32;
	s1 =	sand.u32 $0x10, s1  }
0x4: {  	s1 =	sor.u32 s0, s1  }
0x5: {  	s6 =	rddreg [dreg:$0x0];
	s4 =	simm.s32 $0x1;
	s2 =	sshll.u32 s1, $0x7  }
0x6: {  	s7 =	simm.s32 $0x2;
	s12 =	simm.s32 $0x0;
	s1 =	ssub.s32 $0x1000, s2  }
0x7: {  	s8 =	simm.s32 $0x8000;
	s13 =	simm.s32 $0x0;
	s3 =	sand.u32 $0xF80, s1  }
0x8: {  	s9 =	simm.s32 $0x0;
	s5 =	sshrl.u32 s1, $0xC;
	p0 =	sne.s32 s3, $0x0  }
.Ltmp0:
0x9: {  	s1 =	rddreg [dreg:$0x2];
	s4 =	simm.s32 @!p0 $0x0;
	(pc) =	sbr.rel .LBB1_1-.Ltmp0, $4  }
0xa: {  	s11 =	simm.s32 $0x0;
	s3 =	rddreg [dreg:$0x1];
	s5 =	sadd.s32 s4, s5  }
0xb: {  	_ =	strace $0x8000004A;
	s4 =	simm.s32 $0x1;
	s5 =	smul.u32 $0xC8, s5  }
0xc: {  	s6 =	sadd.s32 $0xA00, s6;
	s10 =	smov.u32 s2;
	[sflag:s4] =	ssyncpa.u1 $0x0  }
0xd: {  	p0 =	por $0x0, $0x0;
	[sflag:s7] =	ssyncpa.u1 $0x0;
	s7 =	sor.u32 $0x1, s5  }
.LBB1_4:
0xe: {  	s16 =	sshll.u32 s13, $0x3;
	s17 =	sand.u32 $0x78, s13  }
0xf: {  	s30 =	sand.u32 $0x7E00, s13;
	s12 =	sshll.u32 s12, $0xF;
	s16 =	sand.u32 $0xC00, s16  }
0x10: {  	[tilespmem:s15+$0x810 ss:$0x81] =	vst.msk $0xffff, v2;
	s31 =	sand.u32 $0x7, s13;
	s16 =	sor.u32 s17, s16;
	s17 =	sadd.s32 s3, s30  }
0x11: {  	[tilespmem:s15+$0x1020 ss:$0x81] =	vst.msk $0xffff, v0;
	s13 =	sshll.u32 s31, $0x12;
	s12 =	sadd.s32 s12, s17;
	s16 =	sshrl.u32 s16, $0x3  }
0x12: {  	[tilespmem:s15+$0x0 ss:$0x81] =	vst.msk $0xffff, v1;
	s13 =	sor.u32 $0x400, s13;
	s12 =	sadd.s32 s16, s12  }
0x13: {  	[hbm4b:s12+s13] =	stream.strided.scatter [tilespmem:s14], [sflag:$0x2], $0x2000, s8, s13, $0x20;
	[tilespmem:$0x8080] =	vst v63  }
.LBB1_5:
0x14: {  	s14 =	sadd.s32 $0x1, s9  }
0x15: {  	s12 =	sadd.s32 $0x1000, s10;
	s16 =	smov.u32 s10;
	p2 =	sgt.s32 s14, $0xC7  }
0x16: {  	s16 =	smov.u32 @p2 s12  }
0x17: {  	s14 =	simm.s32 @p2 $0x0;
	p2 =	sgt.s32 s16, $0xFFF  }
0x18: {  	s16 =	smov.u32 @p2 s2;
	p2 =	sne.s32 s11, s7  }
.Ltmp1:
0x19: {  	p1 =	slt.u32 s11, $0x2;
	(pc) =	sbr.rel @!p2 .LBB1_6-.Ltmp1, $4  }
0x1a: {  	s15 =	simm.s32 @!p1 $0x2  }
0x1b: {  	s13 =	smov.u32 s10;
	p0 =	por !p0, !p0;
	_ =	swait.ge @!p1 [sflag:s15], $0x2000  }
0x1c: {  	s12 =	smov.u32 s9;
	[sflag:s15] =	ssyncset.done @!p1 $0x0;
	s9 =	smov.u32 s14  }
0x1d: {  	s11 =	sadd.s32 $0x1, s11;
	[sflag:s15] =	ssyncadd.s32 @!p1 $0xFFFFE000;
	s10 =	smov.u32 s16  }
.LBB1_1:
0x1e: {  	p1 =	sge.u32 s11, s5  }
0x1f: {  	s14 =	sand.u32 @!p1 $0x1FFFFFF, s9  }
0x20: {  	s15 =	smulhi.u32 @!p1 $0x147AE15, s14;
	_ =	sdelay $0x1  }
0x21: {  	s15 =	smul.u32 @!p1 $0xC8, s15  }
0x22: {  	s16 =	sxor.u32 @!p1 $0xFFFFFFFF, s11;
	s17 =	smul.u32 @!p1 $0xC80, s10  }
0x23: {  	s31 =	sadd.s32 $0xFFFFFFFF, s11;
	s16 =	sshll.u32 @!p1 s16, $0xD;
	s14 =	ssub.s32 @!p1 s14, s15  }
0x24: {  	s15 =	sand.u32 @!p1 $0x2000, s16;
	s16 =	sadd.s32 @!p1 s6, s17;
	s14 =	sshll.u32 @!p1 s14, $0x4  }
0x25: {  	s17 =	simm.s32 @!p1 $0x6400;
	s14 =	sadd.s32 @!p1 s14, s16;
	s16 =	simm.s32 @!p1 $0x40  }
0x26: {  	[tilespmem:s15], [sflag:$0x1] =	stream.strided.gather @!p1 [hbm4b:s14+s16], $0x2000, s17, s16, $0x38;
	[tilespmem:$0x8080] =	vst v63  }
0x27: {  	p1 =	sge.u32 s31, s5  }
.Ltmp2:
0x28: {  	_ = 	snop;
	(pc) =	sbr.rel @p1 .LBB1_5-.Ltmp2, $1  }
0x29: {  	_ =	sdelay $0x3  }
0x2a: {  	s14 =	simm.s32 $0x1  }
0x2b: {  	_ =	swait.ge [sflag:s4], $0x2000;
	s14 =	simm.s32 @!p0 $0x0  }
0x2c: {  	[sflag:s4] =	ssyncset.done $0x0;
	s15 =	sshll.u32 s14, $0xD  }
0x2d: {  	[sflag:s4] =	ssyncadd.s32 $0xFFFFE000;
	s18 =	sor.u32 $0x20, s15  }
0x2e: {  	s14 =	smul.u32 $0x8100, s14;
	v3 =	vld [tilespmem:s18+$0x10]  }
0x2f: {  	s30 =	sand.u32 $0x1, s11;
	v2 =	vld [tilespmem:s18+$0xFFFFFFF0]  }
0x30: {  	s15 =	smul.u32 $0x8100, s30;
	s14 =	sshrl.u32 s14, $0x2;
	v0 =	vld [tilespmem:s18+$0x0]  }
0x31: {  	v1 =	vld [tilespmem:s18+$0xFFFFFFE0];
	s16 =	sor.u32 $0x4000, s14  }
0x32: {  	s31 =	sshrl.u32 s15, $0x2;
	s15 =	sadd.s32 $0x0, s16  }
0x33: {  	s17 =	simm.s32 $0x4;
	s18 =	sadd.s32 $0x40, s18;
	s14 =	sor.u32 $0x4000, s31;
	[tilespmem:s15+$0x1830 ss:$0x81] =	vst.msk $0xffff, v3  }
.LBB1_3:
0x34: {  	v3 =	vld [tilespmem:s18+$0x10];
	p1 =	sne.s32 s17, $0x1FC;
	[tilespmem:s15+$0x810 ss:$0x81] =	vst.msk $0xffff, v2;
	s19 =	smov.u32 s17;
	s17 =	sadd.s32 $0x4, s17  }
.Ltmp3:
0x35: {  	v2 =	vld [tilespmem:s18+$0xFFFFFFF0];
	[tilespmem:s15+$0x1020 ss:$0x81] =	vst.msk $0xffff, v0;
	(pc) =	sbr.rel @p1 .LBB1_3-.Ltmp3, $4  }
0x36: {  	v0 =	vld [tilespmem:s18+$0x0];
	[tilespmem:s15+$0x0 ss:$0x81] =	vst.msk $0xffff, v1  }
0x37: {  	s15 =	sshra.s32 s19, $0x2;
	v1 =	vld [tilespmem:s18+$0xFFFFFFE0]  }
0x38: {  	s15 =	sadd.s32 s15, s16  }
0x39: {  	s18 =	sadd.s32 $0x40, s18;
	[tilespmem:s15+$0x1830 ss:$0x81] =	vst.msk $0xffff, v3  }
.Ltmp4:
0x3a: {  	_ = 	snop;
	(pc) =	sbr.rel .LBB1_4-.Ltmp4, $1  }
0x3b: {  	_ =	sdelay $0x3  }
.LBB1_6:
0x3c: {  	_ =	sfence.sel $0x180000  }
0x3d: {  	s2 =	simm.s32 $0x1;
	[bflag:$0x0] =	sbarrier.arrive $0xFFFF  }
0x3e: {  	s31 =	simm.s32 $0x2;
	[sflag:s2] =	ssyncpa.u1 $0x1  }
0x3f: {  	[sflag:s31] =	ssyncpa.u1 $0x1  }
0x40: {  	p0 =	sne.s32 s0, $0x0;
	_ =	strace $0x9000004A  }
0x41: {  	s0 =	sadd.s32 @!p0 $0x100000, s1;
	[bflag:$0x2] =	sbarrier.arrive $0xFFFF  }
0x42: {  	[sflag:s0] =	ssyncadd.tile.s32 @!p0 $0x1;
	_ =	shalt  }
.Lfunc_end1:
_tile_overlayer_lowered:
.L_overlay_start_2:
0x43: {  	(tag) =	ssettag $0x2  }
0x44: {  	s0 =	rddreg [dreg:$0x0];
	s2 =	stileid.u32  }
0x45: {  	s1 =	rddreg [dreg:$0x1];
	p0 =	sne.s32 s2, $0x0  }
0x46: {  	s3 =	rddreg [dreg:$0x2];
	[bflag:$0x3] =	sbarrier.arrive $0xFFFF;
	s2 =	simm.s32 @!p0 $0x1C01  }
0x47: {  	[timem:s3], [sflag:s2] =	dma.local @!p0 [hbm:s0], s1  }
0x48: {  	s0 =	simm.s32 @!p0 $0x1  }
0x49: {  	_ =	swait.ge @!p0 [sflag:s0], s1  }
0x4a: {  	s1 =	ssub.s32 @!p0 $0x0, s1;
	[sflag:s0] =	ssyncset.done @!p0 $0x0  }
0x4b: {  	[sflag:s0] =	ssyncadd.s32 @!p0 s1  }
0x4c: {  	[bflag:$0x3] =	sbarrier.arrive $0xFFFF  }
0x4d: {  	_ =	shalt  }

</sc_bundles>
